<compile_context>
chip_gen: v7x
topology: tpu7x:2x2x1
jax: 0.10.2.dev20260603
libtpu: 0.0.44.dev20260713+nightly
codegen_flags: <defaults>
</compile_context>

<pallas_src>
import jax
import jax.numpy as jnp
from jax import lax
from jax.experimental import pallas as pl
from jax.experimental.pallas import tpu as pltpu
from jax.experimental.pallas import tpu_sc as plsc

NUM_EMB = 1000000
N = 819200
D = 3
NTAB = 4

NC = 2
NS = 16
NW = NC * NS
PER_W = N // NW
CHUNK = 128
NCHUNK = PER_W // CHUNK
NPAIR = NCHUNK // 2
LANES = 16

NW_A = 25
ROWS_W = NUM_EMB // NW_A
RB = 1600
NBLK = ROWS_W // RB
GB = RB // LANES


def _band_body(w0, w1, w2, w3, band_hbm, stg, outb, sem_in, sem_out):
    cid = lax.axis_index("c")
    sid = lax.axis_index("s")
    wid = sid * NC + cid
    tables = (w0, w1, w2, w3)

    iot = lax.iota(jnp.int32, LANES)
    iot3 = iot * D
    tfull = [jnp.full((LANES,), t, jnp.int32) for t in range(NTAB)]
    ocolv = [jnp.full((LANES,), j, jnp.int32) for j in range(NTAB * D)]

    @pl.when(wid < NW_A)
    def _():
        def block(b, carry):
            row0 = wid * ROWS_W + b * RB
            hs = [pltpu.async_copy(tables[t].at[pl.ds(row0 * D, RB * D)],
                                   stg.at[t], sem_in)
                  for t in range(NTAB)]
            for h in hs:
                h.wait()

            def grp(g, c2):
                r0 = g * LANES
                rows_out = iot + r0
                for t in range(NTAB):
                    for c in range(D):
                        words = iot3 + (D * r0 + c)
                        strip = plsc.load_gather(stg, [tfull[t], words])
                        plsc.store_scatter(outb, [rows_out, ocolv[t * D + c]],
                                           strip)
                return c2

            lax.fori_loop(0, GB, grp, 0)
            pltpu.sync_copy(outb, band_hbm.at[pl.ds(row0, RB)])
            return carry

        lax.fori_loop(0, NBLK, block, 0)


def _gather_body(idx_hbm, tab_hbm, zacc_hbm, out_hbm,
                 idx_v, buf_a, buf_b, acc, sidx_v, sem_a, sem_b):
    cid = lax.axis_index("c")
    sid = lax.axis_index("s")
    wid = sid * NC + cid
    pltpu.sync_copy(idx_hbm.at[wid], idx_v)

    sid_vec = jnp.full((LANES,), sid, jnp.int32)
    for k in range(CHUNK // LANES):
        sidx_v[pl.ds(k * LANES, LANES)] = sid_vec

    @pl.when(sid == 0)
    def _():
        pltpu.sync_copy(zacc_hbm, acc)

    plsc.subcore_barrier()

    def body(g, carry):
        c0 = 2 * g
        h_a = pltpu.async_copy(tab_hbm.at[idx_v.at[c0]], buf_a, sem_a)
        h_b = pltpu.async_copy(tab_hbm.at[idx_v.at[c0 + 1]], buf_b, sem_b)
        h_a.wait()
        pltpu.sync_copy(buf_a, acc.at[sidx_v], add=True)
        h_b.wait()
        pltpu.sync_copy(buf_b, acc.at[sidx_v], add=True)
        return carry

    lax.fori_loop(0, NPAIR, body, 0)
    plsc.subcore_barrier()

    @pl.when(sid == 0)
    def _():
        pltpu.sync_copy(acc, out_hbm.at[cid])


def kernel(eb_input, eb_offset, W0, W1, W2, W3):
    del eb_offset
    idx3 = eb_input.reshape(NW, NCHUNK, CHUNK)
    zacc = jnp.zeros((NS, LANES), jnp.float32)

    mesh = plsc.VectorSubcoreMesh(core_axis_name="c", subcore_axis_name="s")
    cparams = pltpu.CompilerParams(needs_layout_passes=False,
                                   use_tc_tiling_on_sc=False)

    run_band = pl.kernel(
        _band_body,
        out_type=jax.ShapeDtypeStruct((NUM_EMB, LANES), jnp.float32),
        mesh=mesh,
        scratch_types=[
            pltpu.VMEM((NTAB, RB * D), jnp.float32),
            pltpu.VMEM((RB, LANES), jnp.float32),
            pltpu.SemaphoreType.DMA,
            pltpu.SemaphoreType.DMA,
        ],
        compiler_params=cparams,
    )

    run_gather = pl.kernel(
        _gather_body,
        out_type=jax.ShapeDtypeStruct((NC, NS, LANES), jnp.float32),
        mesh=mesh,
        scratch_types=[
            pltpu.VMEM((NCHUNK, CHUNK), jnp.int32),
            pltpu.VMEM((CHUNK, LANES), jnp.float32),
            pltpu.VMEM((CHUNK, LANES), jnp.float32),
            pltpu.VMEM_SHARED((NS, LANES), jnp.float32),
            pltpu.VMEM((CHUNK,), jnp.int32),
            pltpu.SemaphoreType.DMA,
            pltpu.SemaphoreType.DMA,
        ],
        compiler_params=cparams,
    )

    band = run_band(W0.reshape(-1), W1.reshape(-1), W2.reshape(-1),
                    W3.reshape(-1))
    partials = run_gather(idx3, band, zacc)
    lanes = partials.sum(axis=(0, 1))
    return lanes[:NTAB * D].reshape(NTAB, D).sum(axis=0)

# --- scband reference (transcript-rebuilt; emitter-appended) ---
"""Pipeline reference for scband-custom-model-emb-emb-bag-common-node-89146341196154 (READ-ONLY COPY).

The authoritative reference and input builder live on the scoring server;
editing this copy changes nothing except your own understanding.
"""

import jax, jax.numpy as jnp
import numpy as np

NUM_EMB = 1000000
N = 819200
B = 4096
D = 3


def setup_inputs(seed: int = 0) -> dict:
    key = jax.random.key(seed)
    k1, k2, k3, k4, k5, k6 = jax.random.split(key, 6)
    eb_input = jax.random.randint(k1, (N,), 0, NUM_EMB, dtype=jnp.int32)
    eb_offset = jnp.sort(jax.random.randint(k2, (B,), 0, N, dtype=jnp.int32))
    eb_offset = eb_offset.at[0].set(0)  # EmbeddingBag requires offsets[0] == 0
    W0 = jax.random.normal(k3, (NUM_EMB, D), dtype=jnp.float32) * 0.01
    W1 = jax.random.normal(k4, (NUM_EMB, D), dtype=jnp.float32) * 0.01
    W2 = jax.random.normal(k5, (NUM_EMB, D), dtype=jnp.float32) * 0.01
    W3 = jax.random.normal(k6, (NUM_EMB, D), dtype=jnp.float32) * 0.01
    return {"eb_input": eb_input, "eb_offset": eb_offset, "W0": W0, "W1": W1, "W2": W2, "W3": W3}


def _bag_sum(table, idx, offsets):
    # torch.nn.EmbeddingBag(mode='sum') with 1D input + offsets:
    # bag b sums embeddings of idx[offsets[b]:offsets[b+1]] (last bag runs to end).
    seg_ids = jnp.searchsorted(offsets, jnp.arange(idx.shape[0], dtype=offsets.dtype), side='right') - 1
    emb = jnp.take(table, idx, axis=0)
    return jax.ops.segment_sum(emb, seg_ids, num_segments=offsets.shape[0])


def reference(eb_input, eb_offset, W0, W1, W2, W3):
    out0 = _bag_sum(W0, eb_input, eb_offset)          # [B, 3]
    out1 = jnp.take(W1, eb_input, axis=0)             # [N, 3]
    out2 = _bag_sum(W2, eb_input, eb_offset)          # [B, 3]
    out3 = jnp.take(W3, eb_input, axis=0)             # [N, 3]
    cat = jnp.concatenate([out0, out1, out2, out3], axis=0)  # [2B+2N, 3]
    return jnp.sum(cat, axis=0)                        # [3]

if __name__ == "__main__":
    import jax
    _d = setup_inputs()
    print(jax.jit(kernel)(*tuple(_d.values())))

</pallas_src>

<mosaic_0001>
#map = affine_map<(d0, d1) -> (0, 0, 0)>
#map1 = affine_map<(d0, d1) -> (0, 0)>
module attributes {stable_mosaic.version = 14 : i64} {
  func.func @_gather_body(%arg0: i32, %arg1: i32, %arg2: memref<32x200x128xi32, #tpu.memory_space<hbm>>, %arg3: memref<1000000x16xf32, #tpu.memory_space<hbm>>, %arg4: memref<16x16xf32, #tpu.memory_space<hbm>>, %arg5: memref<2x16x16xf32, #tpu.memory_space<hbm>>, %arg6: memref<200x128xi32, #tpu.memory_space<vmem>>, %arg7: memref<128x16xf32, #tpu.memory_space<vmem>>, %arg8: memref<128x16xf32, #tpu.memory_space<vmem>>, %arg9: memref<16x16xf32, #tpu.memory_space<vmem_shared>>, %arg10: memref<128xi32, #tpu.memory_space<vmem>>, %arg11: memref<!tpu.dma_semaphore, #tpu.memory_space<semaphore_mem>>, %arg12: memref<!tpu.dma_semaphore, #tpu.memory_space<semaphore_mem>>) attributes {dimension_semantics = [#tpu.dimension_semantics<core_parallel>, #tpu.dimension_semantics<subcore_parallel>], iteration_bounds = array<i64: 2, 16>, scalar_prefetch = 0 : i64, scratch_operands = 7 : i64, tpu.core_type = #tpu.core_type<sc_vector_subcore>, window_params = [{transform_indices = #map}, {transform_indices = #map1}, {transform_indices = #map1}, {transform_indices = #map}]} {
    %mul3A = arith.constant 2 : i32
    %mul3A_0 = arith.muli %arg1, %mul3A : i32
    %add3A = arith.addi %mul3A_0, %arg0 : i32
    "tpu.region"() ({
      %run_scoped3A = tpu.sem_alloc : memref<!tpu.dma_semaphore, #tpu.memory_space<semaphore_mem>>
      %dma_start3A = arith.constant 0 : i32
      %dma_start3A_29 = arith.constant 0 : i32
      %dma_start3A_30 = tpu.memref_slice %arg2[%add3A, %dma_start3A, %dma_start3A_29] : memref<32x200x128xi32, #tpu.memory_space<hbm>> -> memref<1x200x128xi32, #tpu.memory_space<hbm>>
      %dma_start3A_31 = tpu.memref_squeeze %dma_start3A_30 : memref<1x200x128xi32, #tpu.memory_space<hbm>> -> memref<200x128xi32, #tpu.memory_space<hbm>>
      %dma_start3A_32 = arith.constant 0 : i32
      %dma_start3A_33 = arith.constant 0 : i32
      %dma_start3A_34 = tpu.memref_slice %arg2[%add3A, %dma_start3A_32, %dma_start3A_33] : memref<32x200x128xi32, #tpu.memory_space<hbm>> -> memref<1x200x128xi32, #tpu.memory_space<hbm>>
      %dma_start3A_35 = tpu.memref_squeeze %dma_start3A_34 : memref<1x200x128xi32, #tpu.memory_space<hbm>> -> memref<200x128xi32, #tpu.memory_space<hbm>>
      tpu.enqueue_dma source(%dma_start3A_35 : memref<200x128xi32, #tpu.memory_space<hbm>>) target(%arg6 : memref<200x128xi32, #tpu.memory_space<vmem>>) target_semaphore(%run_scoped3A : memref<!tpu.dma_semaphore, #tpu.memory_space<semaphore_mem>>)
      %dma_wait3A = arith.constant 0 : i32
      %dma_wait3A_36 = arith.constant 0 : i32
      %dma_wait3A_37 = tpu.memref_slice %arg2[%add3A, %dma_wait3A, %dma_wait3A_36] : memref<32x200x128xi32, #tpu.memory_space<hbm>> -> memref<1x200x128xi32, #tpu.memory_space<hbm>>
      %dma_wait3A_38 = tpu.memref_squeeze %dma_wait3A_37 : memref<1x200x128xi32, #tpu.memory_space<hbm>> -> memref<200x128xi32, #tpu.memory_space<hbm>>
      %dma_wait3A_39 = arith.constant 0 : i32
      %dma_wait3A_40 = arith.constant 0 : i32
      %dma_wait3A_41 = tpu.memref_slice %arg2[%add3A, %dma_wait3A_39, %dma_wait3A_40] : memref<32x200x128xi32, #tpu.memory_space<hbm>> -> memref<1x200x128xi32, #tpu.memory_space<hbm>>
      %dma_wait3A_42 = tpu.memref_squeeze %dma_wait3A_41 : memref<1x200x128xi32, #tpu.memory_space<hbm>> -> memref<200x128xi32, #tpu.memory_space<hbm>>
      tpu.wait_dma2 semaphore(%run_scoped3A : memref<!tpu.dma_semaphore, #tpu.memory_space<semaphore_mem>>) src(%dma_wait3A_42 : memref<200x128xi32, #tpu.memory_space<hbm>>) dst(%arg6 : memref<200x128xi32, #tpu.memory_space<vmem>>)
      tpu.yield
    }) : () -> ()
    %broadcast_in_dim3A = vector.broadcast %arg1 : i32 to vector<16xi32>
    %swap3A = arith.constant 0 : index
    %swap3A_1 = tpu.vector_load %arg10[%swap3A] {strides = array<i32>} : memref<128xi32, #tpu.memory_space<vmem>>, vector<16xi32>,
    tpu.vector_store %arg10[%swap3A], %broadcast_in_dim3A {strides = array<i32>} : memref<128xi32, #tpu.memory_space<vmem>>, vector<16xi32>,
    %swap3A_2 = arith.constant 16 : index
    %swap3A_3 = tpu.vector_load %arg10[%swap3A_2] {strides = array<i32>} : memref<128xi32, #tpu.memory_space<vmem>>, vector<16xi32>,
    tpu.vector_store %arg10[%swap3A_2], %broadcast_in_dim3A {strides = array<i32>} : memref<128xi32, #tpu.memory_space<vmem>>, vector<16xi32>,
    %swap3A_4 = arith.constant 32 : index
    %swap3A_5 = tpu.vector_load %arg10[%swap3A_4] {strides = array<i32>} : memref<128xi32, #tpu.memory_space<vmem>>, vector<16xi32>,
    tpu.vector_store %arg10[%swap3A_4], %broadcast_in_dim3A {strides = array<i32>} : memref<128xi32, #tpu.memory_space<vmem>>, vector<16xi32>,
    %swap3A_6 = arith.constant 48 : index
    %swap3A_7 = tpu.vector_load %arg10[%swap3A_6] {strides = array<i32>} : memref<128xi32, #tpu.memory_space<vmem>>, vector<16xi32>,
    tpu.vector_store %arg10[%swap3A_6], %broadcast_in_dim3A {strides = array<i32>} : memref<128xi32, #tpu.memory_space<vmem>>, vector<16xi32>,
    %swap3A_8 = arith.constant 64 : index
    %swap3A_9 = tpu.vector_load %arg10[%swap3A_8] {strides = array<i32>} : memref<128xi32, #tpu.memory_space<vmem>>, vector<16xi32>,
    tpu.vector_store %arg10[%swap3A_8], %broadcast_in_dim3A {strides = array<i32>} : memref<128xi32, #tpu.memory_space<vmem>>, vector<16xi32>,
    %swap3A_10 = arith.constant 80 : index
    %swap3A_11 = tpu.vector_load %arg10[%swap3A_10] {strides = array<i32>} : memref<128xi32, #tpu.memory_space<vmem>>, vector<16xi32>,
    tpu.vector_store %arg10[%swap3A_10], %broadcast_in_dim3A {strides = array<i32>} : memref<128xi32, #tpu.memory_space<vmem>>, vector<16xi32>,
    %swap3A_12 = arith.constant 96 : index
    %swap3A_13 = tpu.vector_load %arg10[%swap3A_12] {strides = array<i32>} : memref<128xi32, #tpu.memory_space<vmem>>, vector<16xi32>,
    tpu.vector_store %arg10[%swap3A_12], %broadcast_in_dim3A {strides = array<i32>} : memref<128xi32, #tpu.memory_space<vmem>>, vector<16xi32>,
    %swap3A_14 = arith.constant 112 : index
    %swap3A_15 = tpu.vector_load %arg10[%swap3A_14] {strides = array<i32>} : memref<128xi32, #tpu.memory_space<vmem>>, vector<16xi32>,
    tpu.vector_store %arg10[%swap3A_14], %broadcast_in_dim3A {strides = array<i32>} : memref<128xi32, #tpu.memory_space<vmem>>, vector<16xi32>,
    %eq3A = arith.constant 0 : i32
    %eq3A_16 = arith.cmpi eq, %arg1, %eq3A : i32
    %convert_element_type3A = arith.extui %eq3A_16 : i1 to i32
    %cond3A = arith.constant 0 : i32
    %cond3A_17 = arith.cmpi ne, %convert_element_type3A, %cond3A : i32
    scf.if %cond3A_17 {
      "tpu.region"() ({
        %run_scoped3A = tpu.sem_alloc : memref<!tpu.dma_semaphore, #tpu.memory_space<semaphore_mem>>
        tpu.enqueue_dma source(%arg4 : memref<16x16xf32, #tpu.memory_space<hbm>>) target(%arg9 : memref<16x16xf32, #tpu.memory_space<vmem_shared>>) target_semaphore(%run_scoped3A : memref<!tpu.dma_semaphore, #tpu.memory_space<semaphore_mem>>)
        tpu.wait_dma2 semaphore(%run_scoped3A : memref<!tpu.dma_semaphore, #tpu.memory_space<semaphore_mem>>) src(%arg4 : memref<16x16xf32, #tpu.memory_space<hbm>>) dst(%arg9 : memref<16x16xf32, #tpu.memory_space<vmem_shared>>)
        tpu.yield
      }) : () -> ()
    } else {
    }
    %barrier3A = arith.constant 0 : index
    tpu.barrier barrier_id(%barrier3A)
    %scan3A = arith.constant 0 : i32
    %scan3A_18 = arith.constant 0 : i32
    %scan3A_19 = arith.constant 100 : i32
    %scan3A_20 = arith.addi %scan3A_18, %scan3A_19 : i32
    %scan3A_21 = arith.constant 1 : i32
    scf.for %scan3A_29 = %scan3A_18 to %scan3A_20 step %scan3A_21  : i32 {
      %mul3A_30 = arith.constant 2 : i32
      %mul3A_31 = arith.muli %mul3A_30, %scan3A_29 : i32
      %dma_start3A = arith.constant 0 : i32
      %dma_start3A_32 = tpu.memref_slice %arg6[%mul3A_31, %dma_start3A] : memref<200x128xi32, #tpu.memory_space<vmem>> -> memref<1x128xi32, #tpu.memory_space<vmem>>
      %dma_start3A_33 = tpu.memref_squeeze %dma_start3A_32 : memref<1x128xi32, #tpu.memory_space<vmem>> -> memref<128xi32, #tpu.memory_space<vmem>>
      %dma_start3A_34 = arith.constant 0 : i32
      %dma_start3A_35 = arith.constant 0 : i32
      %dma_start3A_36 = tpu.memref_slice %arg3[%dma_start3A_34, %dma_start3A_35] : memref<1000000x16xf32, #tpu.memory_space<hbm>> -> memref<1000000x16xf32, #tpu.memory_space<hbm>>
      tpu.enqueue_indirect_dma source(%dma_start3A_36 : memref<1000000x16xf32, #tpu.memory_space<hbm>>) target(%arg7 : memref<128x16xf32, #tpu.memory_space<vmem>>) offsets(%dma_start3A_33 : memref<128xi32, #tpu.memory_space<vmem>>) semaphore(%arg11 : memref<!tpu.dma_semaphore, #tpu.memory_space<semaphore_mem>>)
      %add3A_37 = arith.constant 1 : i32
      %add3A_38 = arith.addi %mul3A_31, %add3A_37 : i32
      %dma_start3A_39 = arith.constant 0 : i32
      %dma_start3A_40 = tpu.memref_slice %arg6[%add3A_38, %dma_start3A_39] : memref<200x128xi32, #tpu.memory_space<vmem>> -> memref<1x128xi32, #tpu.memory_space<vmem>>
      %dma_start3A_41 = tpu.memref_squeeze %dma_start3A_40 : memref<1x128xi32, #tpu.memory_space<vmem>> -> memref<128xi32, #tpu.memory_space<vmem>>
      %dma_start3A_42 = arith.constant 0 : i32
      %dma_start3A_43 = arith.constant 0 : i32
      %dma_start3A_44 = tpu.memref_slice %arg3[%dma_start3A_42, %dma_start3A_43] : memref<1000000x16xf32, #tpu.memory_space<hbm>> -> memref<1000000x16xf32, #tpu.memory_space<hbm>>
      tpu.enqueue_indirect_dma source(%dma_start3A_44 : memref<1000000x16xf32, #tpu.memory_space<hbm>>) target(%arg8 : memref<128x16xf32, #tpu.memory_space<vmem>>) offsets(%dma_start3A_41 : memref<128xi32, #tpu.memory_space<vmem>>) semaphore(%arg12 : memref<!tpu.dma_semaphore, #tpu.memory_space<semaphore_mem>>)
      %dma_wait3A = arith.constant 0 : i32
      %dma_wait3A_45 = tpu.memref_slice %arg6[%mul3A_31, %dma_wait3A] : memref<200x128xi32, #tpu.memory_space<vmem>> -> memref<1x128xi32, #tpu.memory_space<vmem>>
      %dma_wait3A_46 = tpu.memref_squeeze %dma_wait3A_45 : memref<1x128xi32, #tpu.memory_space<vmem>> -> memref<128xi32, #tpu.memory_space<vmem>>
      %dma_wait3A_47 = arith.constant 0 : i32
      %dma_wait3A_48 = arith.constant 0 : i32
      %dma_wait3A_49 = tpu.memref_slice %arg3[%dma_wait3A_47, %dma_wait3A_48] : memref<1000000x16xf32, #tpu.memory_space<hbm>> -> memref<1000000x16xf32, #tpu.memory_space<hbm>>
      tpu.wait_indirect_dma semaphore(%arg11 : memref<!tpu.dma_semaphore, #tpu.memory_space<semaphore_mem>>) src(%dma_wait3A_49 : memref<1000000x16xf32, #tpu.memory_space<hbm>>) dst(%arg7 : memref<128x16xf32, #tpu.memory_space<vmem>>)
      "tpu.region"() ({
        %run_scoped3A = tpu.sem_alloc : memref<!tpu.dma_semaphore, #tpu.memory_space<semaphore_mem>>
        %dma_start3A_56 = arith.constant 0 : i32
        %dma_start3A_57 = arith.constant 0 : i32
        %dma_start3A_58 = tpu.memref_slice %arg9[%dma_start3A_56, %dma_start3A_57] : memref<16x16xf32, #tpu.memory_space<vmem_shared>> -> memref<16x16xf32, #tpu.memory_space<vmem_shared>>
        tpu.enqueue_indirect_dma source(%arg7 : memref<128x16xf32, #tpu.memory_space<vmem>>) target(%dma_start3A_58 : memref<16x16xf32, #tpu.memory_space<vmem_shared>>) offsets(%arg10 : memref<128xi32, #tpu.memory_space<vmem>>) semaphore(%run_scoped3A : memref<!tpu.dma_semaphore, #tpu.memory_space<semaphore_mem>>) {add = true}
        %dma_wait3A_59 = arith.constant 0 : i32
        %dma_wait3A_60 = arith.constant 0 : i32
        %dma_wait3A_61 = tpu.memref_slice %arg9[%dma_wait3A_59, %dma_wait3A_60] : memref<16x16xf32, #tpu.memory_space<vmem_shared>> -> memref<16x16xf32, #tpu.memory_space<vmem_shared>>
        tpu.wait_indirect_dma semaphore(%run_scoped3A : memref<!tpu.dma_semaphore, #tpu.memory_space<semaphore_mem>>) src(%arg7 : memref<128x16xf32, #tpu.memory_space<vmem>>) dst(%dma_wait3A_61 : memref<16x16xf32, #tpu.memory_space<vmem_shared>>)
        tpu.yield
      }) : () -> ()
      %dma_wait3A_50 = arith.constant 0 : i32
      %dma_wait3A_51 = tpu.memref_slice %arg6[%add3A_38, %dma_wait3A_50] : memref<200x128xi32, #tpu.memory_space<vmem>> -> memref<1x128xi32, #tpu.memory_space<vmem>>
      %dma_wait3A_52 = tpu.memref_squeeze %dma_wait3A_51 : memref<1x128xi32, #tpu.memory_space<vmem>> -> memref<128xi32, #tpu.memory_space<vmem>>
      %dma_wait3A_53 = arith.constant 0 : i32
      %dma_wait3A_54 = arith.constant 0 : i32
      %dma_wait3A_55 = tpu.memref_slice %arg3[%dma_wait3A_53, %dma_wait3A_54] : memref<1000000x16xf32, #tpu.memory_space<hbm>> -> memref<1000000x16xf32, #tpu.memory_space<hbm>>
      tpu.wait_indirect_dma semaphore(%arg12 : memref<!tpu.dma_semaphore, #tpu.memory_space<semaphore_mem>>) src(%dma_wait3A_55 : memref<1000000x16xf32, #tpu.memory_space<hbm>>) dst(%arg8 : memref<128x16xf32, #tpu.memory_space<vmem>>)
      "tpu.region"() ({
        %run_scoped3A = tpu.sem_alloc : memref<!tpu.dma_semaphore, #tpu.memory_space<semaphore_mem>>
        %dma_start3A_56 = arith.constant 0 : i32
        %dma_start3A_57 = arith.constant 0 : i32
        %dma_start3A_58 = tpu.memref_slice %arg9[%dma_start3A_56, %dma_start3A_57] : memref<16x16xf32, #tpu.memory_space<vmem_shared>> -> memref<16x16xf32, #tpu.memory_space<vmem_shared>>
        tpu.enqueue_indirect_dma source(%arg8 : memref<128x16xf32, #tpu.memory_space<vmem>>) target(%dma_start3A_58 : memref<16x16xf32, #tpu.memory_space<vmem_shared>>) offsets(%arg10 : memref<128xi32, #tpu.memory_space<vmem>>) semaphore(%run_scoped3A : memref<!tpu.dma_semaphore, #tpu.memory_space<semaphore_mem>>) {add = true}
        %dma_wait3A_59 = arith.constant 0 : i32
        %dma_wait3A_60 = arith.constant 0 : i32
        %dma_wait3A_61 = tpu.memref_slice %arg9[%dma_wait3A_59, %dma_wait3A_60] : memref<16x16xf32, #tpu.memory_space<vmem_shared>> -> memref<16x16xf32, #tpu.memory_space<vmem_shared>>
        tpu.wait_indirect_dma semaphore(%run_scoped3A : memref<!tpu.dma_semaphore, #tpu.memory_space<semaphore_mem>>) src(%arg8 : memref<128x16xf32, #tpu.memory_space<vmem>>) dst(%dma_wait3A_61 : memref<16x16xf32, #tpu.memory_space<vmem_shared>>)
        tpu.yield
      }) : () -> ()
    }
    %scan3A_22 = arith.constant 100 : i32
    %barrier3A_23 = arith.constant 0 : index
    tpu.barrier barrier_id(%barrier3A_23)
    %eq3A_24 = arith.constant 0 : i32
    %eq3A_25 = arith.cmpi eq, %arg1, %eq3A_24 : i32
    %convert_element_type3A_26 = arith.extui %eq3A_25 : i1 to i32
    %cond3A_27 = arith.constant 0 : i32
    %cond3A_28 = arith.cmpi ne, %convert_element_type3A_26, %cond3A_27 : i32
    scf.if %cond3A_28 {
      "tpu.region"() ({
        %run_scoped3A = tpu.sem_alloc : memref<!tpu.dma_semaphore, #tpu.memory_space<semaphore_mem>>
        %dma_start3A = arith.constant 0 : i32
        %dma_start3A_29 = arith.constant 0 : i32
        %dma_start3A_30 = tpu.memref_slice %arg5[%arg0, %dma_start3A, %dma_start3A_29] : memref<2x16x16xf32, #tpu.memory_space<hbm>> -> memref<1x16x16xf32, #tpu.memory_space<hbm>>
        %dma_start3A_31 = tpu.memref_squeeze %dma_start3A_30 : memref<1x16x16xf32, #tpu.memory_space<hbm>> -> memref<16x16xf32, #tpu.memory_space<hbm>>
        tpu.enqueue_dma source(%arg9 : memref<16x16xf32, #tpu.memory_space<vmem_shared>>) target(%dma_start3A_31 : memref<16x16xf32, #tpu.memory_space<hbm>>) target_semaphore(%run_scoped3A : memref<!tpu.dma_semaphore, #tpu.memory_space<semaphore_mem>>)
        %dma_wait3A = arith.constant 0 : i32
        %dma_wait3A_32 = arith.constant 0 : i32
        %dma_wait3A_33 = tpu.memref_slice %arg5[%arg0, %dma_wait3A, %dma_wait3A_32] : memref<2x16x16xf32, #tpu.memory_space<hbm>> -> memref<1x16x16xf32, #tpu.memory_space<hbm>>
        %dma_wait3A_34 = tpu.memref_squeeze %dma_wait3A_33 : memref<1x16x16xf32, #tpu.memory_space<hbm>> -> memref<16x16xf32, #tpu.memory_space<hbm>>
        tpu.wait_dma2 semaphore(%run_scoped3A : memref<!tpu.dma_semaphore, #tpu.memory_space<semaphore_mem>>) src(%arg9 : memref<16x16xf32, #tpu.memory_space<vmem_shared>>) dst(%dma_wait3A_34 : memref<16x16xf32, #tpu.memory_space<hbm>>)
        tpu.yield
      }) : () -> ()
    } else {
    }
    return
  }
}

#map = affine_map<(d0, d1) -> (0)>
#map1 = affine_map<(d0, d1) -> (0, 0)>
module attributes {stable_mosaic.version = 14 : i64} {
  func.func @_band_body(%arg0: i32, %arg1: i32, %arg2: memref<3000000xf32, #tpu.memory_space<hbm>>, %arg3: memref<3000000xf32, #tpu.memory_space<hbm>>, %arg4: memref<3000000xf32, #tpu.memory_space<hbm>>, %arg5: memref<3000000xf32, #tpu.memory_space<hbm>>, %arg6: memref<1000000x16xf32, #tpu.memory_space<hbm>>, %arg7: memref<4x4800xf32, #tpu.memory_space<vmem>>, %arg8: memref<1600x16xf32, #tpu.memory_space<vmem>>, %arg9: memref<!tpu.dma_semaphore, #tpu.memory_space<semaphore_mem>>, %arg10: memref<!tpu.dma_semaphore, #tpu.memory_space<semaphore_mem>>) attributes {dimension_semantics = [#tpu.dimension_semantics<core_parallel>, #tpu.dimension_semantics<subcore_parallel>], iteration_bounds = array<i64: 2, 16>, scalar_prefetch = 0 : i64, scratch_operands = 4 : i64, tpu.core_type = #tpu.core_type<sc_vector_subcore>, window_params = [{transform_indices = #map}, {transform_indices = #map}, {transform_indices = #map}, {transform_indices = #map}, {transform_indices = #map1}]} {
    %mul3A = arith.constant 2 : i32
    %mul3A_0 = arith.muli %arg1, %mul3A : i32
    %add3A = arith.addi %mul3A_0, %arg0 : i32
    %iota3A = tpu.iota {dimensions = array<i32: 0>} : vector<16xi32>
    %mul3A_1 = arith.constant 3 : i32
    %mul3A_2 = vector.broadcast %mul3A_1 : i32 to vector<16xi32>
    %mul3A_3 = arith.muli %iota3A, %mul3A_2 : vector<16xi32>
    %broadcast_in_dim3A = arith.constant 0 : i32
    %broadcast_in_dim3A_4 = vector.broadcast %broadcast_in_dim3A : i32 to vector<16xi32>
    %broadcast_in_dim3A_5 = arith.constant 1 : i32
    %broadcast_in_dim3A_6 = vector.broadcast %broadcast_in_dim3A_5 : i32 to vector<16xi32>
    %broadcast_in_dim3A_7 = arith.constant 2 : i32
    %broadcast_in_dim3A_8 = vector.broadcast %broadcast_in_dim3A_7 : i32 to vector<16xi32>
    %broadcast_in_dim3A_9 = arith.constant 3 : i32
    %broadcast_in_dim3A_10 = vector.broadcast %broadcast_in_dim3A_9 : i32 to vector<16xi32>
    %broadcast_in_dim3A_11 = arith.constant 0 : i32
    %broadcast_in_dim3A_12 = vector.broadcast %broadcast_in_dim3A_11 : i32 to vector<16xi32>
    %broadcast_in_dim3A_13 = arith.constant 1 : i32
    %broadcast_in_dim3A_14 = vector.broadcast %broadcast_in_dim3A_13 : i32 to vector<16xi32>
    %broadcast_in_dim3A_15 = arith.constant 2 : i32
    %broadcast_in_dim3A_16 = vector.broadcast %broadcast_in_dim3A_15 : i32 to vector<16xi32>
    %broadcast_in_dim3A_17 = arith.constant 3 : i32
    %broadcast_in_dim3A_18 = vector.broadcast %broadcast_in_dim3A_17 : i32 to vector<16xi32>
    %broadcast_in_dim3A_19 = arith.constant 4 : i32
    %broadcast_in_dim3A_20 = vector.broadcast %broadcast_in_dim3A_19 : i32 to vector<16xi32>
    %broadcast_in_dim3A_21 = arith.constant 5 : i32
    %broadcast_in_dim3A_22 = vector.broadcast %broadcast_in_dim3A_21 : i32 to vector<16xi32>
    %broadcast_in_dim3A_23 = arith.constant 6 : i32
    %broadcast_in_dim3A_24 = vector.broadcast %broadcast_in_dim3A_23 : i32 to vector<16xi32>
    %broadcast_in_dim3A_25 = arith.constant 7 : i32
    %broadcast_in_dim3A_26 = vector.broadcast %broadcast_in_dim3A_25 : i32 to vector<16xi32>
    %broadcast_in_dim3A_27 = arith.constant 8 : i32
    %broadcast_in_dim3A_28 = vector.broadcast %broadcast_in_dim3A_27 : i32 to vector<16xi32>
    %broadcast_in_dim3A_29 = arith.constant 9 : i32
    %broadcast_in_dim3A_30 = vector.broadcast %broadcast_in_dim3A_29 : i32 to vector<16xi32>
    %broadcast_in_dim3A_31 = arith.constant 10 : i32
    %broadcast_in_dim3A_32 = vector.broadcast %broadcast_in_dim3A_31 : i32 to vector<16xi32>
    %broadcast_in_dim3A_33 = arith.constant 11 : i32
    %broadcast_in_dim3A_34 = vector.broadcast %broadcast_in_dim3A_33 : i32 to vector<16xi32>
    %lt3A = arith.constant 25 : i32
    %lt3A_35 = arith.cmpi slt, %add3A, %lt3A : i32
    %convert_element_type3A = arith.extui %lt3A_35 : i1 to i32
    %cond3A = arith.constant 0 : i32
    %cond3A_36 = arith.cmpi ne, %convert_element_type3A, %cond3A : i32
    scf.if %cond3A_36 {
      %scan3A = arith.constant 0 : i32
      %scan3A_37 = arith.constant 0 : i32
      %scan3A_38 = arith.constant 25 : i32
      %scan3A_39 = arith.addi %scan3A_37, %scan3A_38 : i32
      %scan3A_40 = arith.constant 1 : i32
      scf.for %scan3A_42 = %scan3A_37 to %scan3A_39 step %scan3A_40  : i32 {
        %mul3A_43 = arith.constant 40000 : i32
        %mul3A_44 = arith.muli %add3A, %mul3A_43 : i32
        %mul3A_45 = arith.constant 1600 : i32
        %mul3A_46 = arith.muli %scan3A_42, %mul3A_45 : i32
        %add3A_47 = arith.addi %mul3A_44, %mul3A_46 : i32
        %mul3A_48 = arith.constant 3 : i32
        %mul3A_49 = arith.muli %add3A_47, %mul3A_48 : i32
        %dma_start3A = arith.constant 0 : i32
        %dma_start3A_50 = arith.constant 0 : i32
        %dma_start3A_51 = tpu.memref_slice %arg7[%dma_start3A, %dma_start3A_50] : memref<4x4800xf32, #tpu.memory_space<vmem>> -> memref<1x4800xf32, #tpu.memory_space<vmem>>
        %dma_start3A_52 = tpu.memref_squeeze %dma_start3A_51 : memref<1x4800xf32, #tpu.memory_space<vmem>> -> memref<4800xf32, #tpu.memory_space<vmem>>
        %dma_start3A_53 = tpu.memref_slice %arg2[%mul3A_49] : memref<3000000xf32, #tpu.memory_space<hbm>> -> memref<4800xf32, #tpu.memory_space<hbm>>
        %dma_start3A_54 = arith.constant 0 : i32
        %dma_start3A_55 = tpu.memref_slice %arg7[%dma_start3A, %dma_start3A_54] : memref<4x4800xf32, #tpu.memory_space<vmem>> -> memref<1x4800xf32, #tpu.memory_space<vmem>>
        %dma_start3A_56 = tpu.memref_squeeze %dma_start3A_55 : memref<1x4800xf32, #tpu.memory_space<vmem>> -> memref<4800xf32, #tpu.memory_space<vmem>>
        %dma_start3A_57 = tpu.memref_slice %arg2[%mul3A_49] : memref<3000000xf32, #tpu.memory_space<hbm>> -> memref<4800xf32, #tpu.memory_space<hbm>>
        tpu.enqueue_dma source(%dma_start3A_57 : memref<4800xf32, #tpu.memory_space<hbm>>) target(%dma_start3A_56 : memref<4800xf32, #tpu.memory_space<vmem>>) target_semaphore(%arg9 : memref<!tpu.dma_semaphore, #tpu.memory_space<semaphore_mem>>)
        %mul3A_58 = arith.constant 3 : i32
        %mul3A_59 = arith.muli %add3A_47, %mul3A_58 : i32
        %dma_start3A_60 = arith.constant 1 : i32
        %dma_start3A_61 = arith.constant 0 : i32
        %dma_start3A_62 = tpu.memref_slice %arg7[%dma_start3A_60, %dma_start3A_61] : memref<4x4800xf32, #tpu.memory_space<vmem>> -> memref<1x4800xf32, #tpu.memory_space<vmem>>
        %dma_start3A_63 = tpu.memref_squeeze %dma_start3A_62 : memref<1x4800xf32, #tpu.memory_space<vmem>> -> memref<4800xf32, #tpu.memory_space<vmem>>
        %dma_start3A_64 = tpu.memref_slice %arg3[%mul3A_59] : memref<3000000xf32, #tpu.memory_space<hbm>> -> memref<4800xf32, #tpu.memory_space<hbm>>
        %dma_start3A_65 = arith.constant 0 : i32
        %dma_start3A_66 = tpu.memref_slice %arg7[%dma_start3A_60, %dma_start3A_65] : memref<4x4800xf32, #tpu.memory_space<vmem>> -> memref<1x4800xf32, #tpu.memory_space<vmem>>
        %dma_start3A_67 = tpu.memref_squeeze %dma_start3A_66 : memref<1x4800xf32, #tpu.memory_space<vmem>> -> memref<4800xf32, #tpu.memory_space<vmem>>
        %dma_start3A_68 = tpu.memref_slice %arg3[%mul3A_59] : memref<3000000xf32, #tpu.memory_space<hbm>> -> memref<4800xf32, #tpu.memory_space<hbm>>
        tpu.enqueue_dma source(%dma_start3A_68 : memref<4800xf32, #tpu.memory_space<hbm>>) target(%dma_start3A_67 : memref<4800xf32, #tpu.memory_space<vmem>>) target_semaphore(%arg9 : memref<!tpu.dma_semaphore, #tpu.memory_space<semaphore_mem>>)
        %mul3A_69 = arith.constant 3 : i32
        %mul3A_70 = arith.muli %add3A_47, %mul3A_69 : i32
        %dma_start3A_71 = arith.constant 2 : i32
        %dma_start3A_72 = arith.constant 0 : i32
        %dma_start3A_73 = tpu.memref_slice %arg7[%dma_start3A_71, %dma_start3A_72] : memref<4x4800xf32, #tpu.memory_space<vmem>> -> memref<1x4800xf32, #tpu.memory_space<vmem>>
        %dma_start3A_74 = tpu.memref_squeeze %dma_start3A_73 : memref<1x4800xf32, #tpu.memory_space<vmem>> -> memref<4800xf32, #tpu.memory_space<vmem>>
        %dma_start3A_75 = tpu.memref_slice %arg4[%mul3A_70] : memref<3000000xf32, #tpu.memory_space<hbm>> -> memref<4800xf32, #tpu.memory_space<hbm>>
        %dma_start3A_76 = arith.constant 0 : i32
        %dma_start3A_77 = tpu.memref_slice %arg7[%dma_start3A_71, %dma_start3A_76] : memref<4x4800xf32, #tpu.memory_space<vmem>> -> memref<1x4800xf32, #tpu.memory_space<vmem>>
        %dma_start3A_78 = tpu.memref_squeeze %dma_start3A_77 : memref<1x4800xf32, #tpu.memory_space<vmem>> -> memref<4800xf32, #tpu.memory_space<vmem>>
        %dma_start3A_79 = tpu.memref_slice %arg4[%mul3A_70] : memref<3000000xf32, #tpu.memory_space<hbm>> -> memref<4800xf32, #tpu.memory_space<hbm>>
        tpu.enqueue_dma source(%dma_start3A_79 : memref<4800xf32, #tpu.memory_space<hbm>>) target(%dma_start3A_78 : memref<4800xf32, #tpu.memory_space<vmem>>) target_semaphore(%arg9 : memref<!tpu.dma_semaphore, #tpu.memory_space<semaphore_mem>>)
        %mul3A_80 = arith.constant 3 : i32
        %mul3A_81 = arith.muli %add3A_47, %mul3A_80 : i32
        %dma_start3A_82 = arith.constant 3 : i32
        %dma_start3A_83 = arith.constant 0 : i32
        %dma_start3A_84 = tpu.memref_slice %arg7[%dma_start3A_82, %dma_start3A_83] : memref<4x4800xf32, #tpu.memory_space<vmem>> -> memref<1x4800xf32, #tpu.memory_space<vmem>>
        %dma_start3A_85 = tpu.memref_squeeze %dma_start3A_84 : memref<1x4800xf32, #tpu.memory_space<vmem>> -> memref<4800xf32, #tpu.memory_space<vmem>>
        %dma_start3A_86 = tpu.memref_slice %arg5[%mul3A_81] : memref<3000000xf32, #tpu.memory_space<hbm>> -> memref<4800xf32, #tpu.memory_space<hbm>>
        %dma_start3A_87 = arith.constant 0 : i32
        %dma_start3A_88 = tpu.memref_slice %arg7[%dma_start3A_82, %dma_start3A_87] : memref<4x4800xf32, #tpu.memory_space<vmem>> -> memref<1x4800xf32, #tpu.memory_space<vmem>>
        %dma_start3A_89 = tpu.memref_squeeze %dma_start3A_88 : memref<1x4800xf32, #tpu.memory_space<vmem>> -> memref<4800xf32, #tpu.memory_space<vmem>>
        %dma_start3A_90 = tpu.memref_slice %arg5[%mul3A_81] : memref<3000000xf32, #tpu.memory_space<hbm>> -> memref<4800xf32, #tpu.memory_space<hbm>>
        tpu.enqueue_dma source(%dma_start3A_90 : memref<4800xf32, #tpu.memory_space<hbm>>) target(%dma_start3A_89 : memref<4800xf32, #tpu.memory_space<vmem>>) target_semaphore(%arg9 : memref<!tpu.dma_semaphore, #tpu.memory_space<semaphore_mem>>)
        %dma_wait3A = arith.constant 0 : i32
        %dma_wait3A_91 = arith.constant 0 : i32
        %dma_wait3A_92 = tpu.memref_slice %arg7[%dma_wait3A, %dma_wait3A_91] : memref<4x4800xf32, #tpu.memory_space<vmem>> -> memref<1x4800xf32, #tpu.memory_space<vmem>>
        %dma_wait3A_93 = tpu.memref_squeeze %dma_wait3A_92 : memref<1x4800xf32, #tpu.memory_space<vmem>> -> memref<4800xf32, #tpu.memory_space<vmem>>
        %dma_wait3A_94 = tpu.memref_slice %arg2[%mul3A_49] : memref<3000000xf32, #tpu.memory_space<hbm>> -> memref<4800xf32, #tpu.memory_space<hbm>>
        %dma_wait3A_95 = arith.constant 0 : i32
        %dma_wait3A_96 = tpu.memref_slice %arg7[%dma_wait3A, %dma_wait3A_95] : memref<4x4800xf32, #tpu.memory_space<vmem>> -> memref<1x4800xf32, #tpu.memory_space<vmem>>
        %dma_wait3A_97 = tpu.memref_squeeze %dma_wait3A_96 : memref<1x4800xf32, #tpu.memory_space<vmem>> -> memref<4800xf32, #tpu.memory_space<vmem>>
        %dma_wait3A_98 = tpu.memref_slice %arg2[%mul3A_49] : memref<3000000xf32, #tpu.memory_space<hbm>> -> memref<4800xf32, #tpu.memory_space<hbm>>
        tpu.wait_dma2 semaphore(%arg9 : memref<!tpu.dma_semaphore, #tpu.memory_space<semaphore_mem>>) src(%dma_wait3A_98 : memref<4800xf32, #tpu.memory_space<hbm>>) dst(%dma_wait3A_97 : memref<4800xf32, #tpu.memory_space<vmem>>)
        %dma_wait3A_99 = arith.constant 1 : i32
        %dma_wait3A_100 = arith.constant 0 : i32
        %dma_wait3A_101 = tpu.memref_slice %arg7[%dma_wait3A_99, %dma_wait3A_100] : memref<4x4800xf32, #tpu.memory_space<vmem>> -> memref<1x4800xf32, #tpu.memory_space<vmem>>
        %dma_wait3A_102 = tpu.memref_squeeze %dma_wait3A_101 : memref<1x4800xf32, #tpu.memory_space<vmem>> -> memref<4800xf32, #tpu.memory_space<vmem>>
        %dma_wait3A_103 = tpu.memref_slice %arg3[%mul3A_59] : memref<3000000xf32, #tpu.memory_space<hbm>> -> memref<4800xf32, #tpu.memory_space<hbm>>
        %dma_wait3A_104 = arith.constant 0 : i32
        %dma_wait3A_105 = tpu.memref_slice %arg7[%dma_wait3A_99, %dma_wait3A_104] : memref<4x4800xf32, #tpu.memory_space<vmem>> -> memref<1x4800xf32, #tpu.memory_space<vmem>>
        %dma_wait3A_106 = tpu.memref_squeeze %dma_wait3A_105 : memref<1x4800xf32, #tpu.memory_space<vmem>> -> memref<4800xf32, #tpu.memory_space<vmem>>
        %dma_wait3A_107 = tpu.memref_slice %arg3[%mul3A_59] : memref<3000000xf32, #tpu.memory_space<hbm>> -> memref<4800xf32, #tpu.memory_space<hbm>>
        tpu.wait_dma2 semaphore(%arg9 : memref<!tpu.dma_semaphore, #tpu.memory_space<semaphore_mem>>) src(%dma_wait3A_107 : memref<4800xf32, #tpu.memory_space<hbm>>) dst(%dma_wait3A_106 : memref<4800xf32, #tpu.memory_space<vmem>>)
        %dma_wait3A_108 = arith.constant 2 : i32
        %dma_wait3A_109 = arith.constant 0 : i32
        %dma_wait3A_110 = tpu.memref_slice %arg7[%dma_wait3A_108, %dma_wait3A_109] : memref<4x4800xf32, #tpu.memory_space<vmem>> -> memref<1x4800xf32, #tpu.memory_space<vmem>>
        %dma_wait3A_111 = tpu.memref_squeeze %dma_wait3A_110 : memref<1x4800xf32, #tpu.memory_space<vmem>> -> memref<4800xf32, #tpu.memory_space<vmem>>
        %dma_wait3A_112 = tpu.memref_slice %arg4[%mul3A_70] : memref<3000000xf32, #tpu.memory_space<hbm>> -> memref<4800xf32, #tpu.memory_space<hbm>>
        %dma_wait3A_113 = arith.constant 0 : i32
        %dma_wait3A_114 = tpu.memref_slice %arg7[%dma_wait3A_108, %dma_wait3A_113] : memref<4x4800xf32, #tpu.memory_space<vmem>> -> memref<1x4800xf32, #tpu.memory_space<vmem>>
        %dma_wait3A_115 = tpu.memref_squeeze %dma_wait3A_114 : memref<1x4800xf32, #tpu.memory_space<vmem>> -> memref<4800xf32, #tpu.memory_space<vmem>>
        %dma_wait3A_116 = tpu.memref_slice %arg4[%mul3A_70] : memref<3000000xf32, #tpu.memory_space<hbm>> -> memref<4800xf32, #tpu.memory_space<hbm>>
        tpu.wait_dma2 semaphore(%arg9 : memref<!tpu.dma_semaphore, #tpu.memory_space<semaphore_mem>>) src(%dma_wait3A_116 : memref<4800xf32, #tpu.memory_space<hbm>>) dst(%dma_wait3A_115 : memref<4800xf32, #tpu.memory_space<vmem>>)
        %dma_wait3A_117 = arith.constant 3 : i32
        %dma_wait3A_118 = arith.constant 0 : i32
        %dma_wait3A_119 = tpu.memref_slice %arg7[%dma_wait3A_117, %dma_wait3A_118] : memref<4x4800xf32, #tpu.memory_space<vmem>> -> memref<1x4800xf32, #tpu.memory_space<vmem>>
        %dma_wait3A_120 = tpu.memref_squeeze %dma_wait3A_119 : memref<1x4800xf32, #tpu.memory_space<vmem>> -> memref<4800xf32, #tpu.memory_space<vmem>>
        %dma_wait3A_121 = tpu.memref_slice %arg5[%mul3A_81] : memref<3000000xf32, #tpu.memory_space<hbm>> -> memref<4800xf32, #tpu.memory_space<hbm>>
        %dma_wait3A_122 = arith.constant 0 : i32
        %dma_wait3A_123 = tpu.memref_slice %arg7[%dma_wait3A_117, %dma_wait3A_122] : memref<4x4800xf32, #tpu.memory_space<vmem>> -> memref<1x4800xf32, #tpu.memory_space<vmem>>
        %dma_wait3A_124 = tpu.memref_squeeze %dma_wait3A_123 : memref<1x4800xf32, #tpu.memory_space<vmem>> -> memref<4800xf32, #tpu.memory_space<vmem>>
        %dma_wait3A_125 = tpu.memref_slice %arg5[%mul3A_81] : memref<3000000xf32, #tpu.memory_space<hbm>> -> memref<4800xf32, #tpu.memory_space<hbm>>
        tpu.wait_dma2 semaphore(%arg9 : memref<!tpu.dma_semaphore, #tpu.memory_space<semaphore_mem>>) src(%dma_wait3A_125 : memref<4800xf32, #tpu.memory_space<hbm>>) dst(%dma_wait3A_124 : memref<4800xf32, #tpu.memory_space<vmem>>)
        %scan3A_126 = arith.constant 0 : i32
        %scan3A_127 = arith.constant 0 : i32
        %scan3A_128 = arith.constant 100 : i32
        %scan3A_129 = arith.addi %scan3A_127, %scan3A_128 : i32
        %scan3A_130 = arith.constant 1 : i32
        scf.for %scan3A_132 = %scan3A_127 to %scan3A_129 step %scan3A_130  : i32 {
          %mul3A_133 = arith.constant 16 : i32
          %mul3A_134 = arith.muli %scan3A_132, %mul3A_133 : i32
          %add3A_135 = vector.broadcast %mul3A_134 : i32 to vector<16xi32>
          %add3A_136 = arith.addi %iota3A, %add3A_135 : vector<16xi32>
          %mul3A_137 = arith.constant 3 : i32
          %mul3A_138 = arith.muli %mul3A_137, %mul3A_134 : i32
          %add3A_139 = arith.constant 0 : i32
          %add3A_140 = arith.addi %mul3A_138, %add3A_139 : i32
          %add3A_141 = vector.broadcast %add3A_140 : i32 to vector<16xi32>
          %add3A_142 = arith.addi %mul3A_3, %add3A_141 : vector<16xi32>
          %gather3A = tpu.vector_load_idx %arg7[%broadcast_in_dim3A_4, %add3A_142] : memref<4x4800xf32, #tpu.memory_space<vmem>>[vector<16xi32>, vector<16xi32>], vector<16xf32>,
          tpu.vector_store_idx %arg8[%add3A_136, %broadcast_in_dim3A_12], %gather3A : memref<1600x16xf32, #tpu.memory_space<vmem>>[vector<16xi32>, vector<16xi32>], vector<16xf32>,
          %mul3A_143 = arith.constant 3 : i32
          %mul3A_144 = arith.muli %mul3A_143, %mul3A_134 : i32
          %add3A_145 = arith.constant 1 : i32
          %add3A_146 = arith.addi %mul3A_144, %add3A_145 : i32
          %add3A_147 = vector.broadcast %add3A_146 : i32 to vector<16xi32>
          %add3A_148 = arith.addi %mul3A_3, %add3A_147 : vector<16xi32>
          %gather3A_149 = tpu.vector_load_idx %arg7[%broadcast_in_dim3A_4, %add3A_148] : memref<4x4800xf32, #tpu.memory_space<vmem>>[vector<16xi32>, vector<16xi32>], vector<16xf32>,
          tpu.vector_store_idx %arg8[%add3A_136, %broadcast_in_dim3A_14], %gather3A_149 : memref<1600x16xf32, #tpu.memory_space<vmem>>[vector<16xi32>, vector<16xi32>], vector<16xf32>,
          %mul3A_150 = arith.constant 3 : i32
          %mul3A_151 = arith.muli %mul3A_150, %mul3A_134 : i32
          %add3A_152 = arith.constant 2 : i32
          %add3A_153 = arith.addi %mul3A_151, %add3A_152 : i32
          %add3A_154 = vector.broadcast %add3A_153 : i32 to vector<16xi32>
          %add3A_155 = arith.addi %mul3A_3, %add3A_154 : vector<16xi32>
          %gather3A_156 = tpu.vector_load_idx %arg7[%broadcast_in_dim3A_4, %add3A_155] : memref<4x4800xf32, #tpu.memory_space<vmem>>[vector<16xi32>, vector<16xi32>], vector<16xf32>,
          tpu.vector_store_idx %arg8[%add3A_136, %broadcast_in_dim3A_16], %gather3A_156 : memref<1600x16xf32, #tpu.memory_space<vmem>>[vector<16xi32>, vector<16xi32>], vector<16xf32>,
          %mul3A_157 = arith.constant 3 : i32
          %mul3A_158 = arith.muli %mul3A_157, %mul3A_134 : i32
          %add3A_159 = arith.constant 0 : i32
          %add3A_160 = arith.addi %mul3A_158, %add3A_159 : i32
          %add3A_161 = vector.broadcast %add3A_160 : i32 to vector<16xi32>
          %add3A_162 = arith.addi %mul3A_3, %add3A_161 : vector<16xi32>
          %gather3A_163 = tpu.vector_load_idx %arg7[%broadcast_in_dim3A_6, %add3A_162] : memref<4x4800xf32, #tpu.memory_space<vmem>>[vector<16xi32>, vector<16xi32>], vector<16xf32>,
          tpu.vector_store_idx %arg8[%add3A_136, %broadcast_in_dim3A_18], %gather3A_163 : memref<1600x16xf32, #tpu.memory_space<vmem>>[vector<16xi32>, vector<16xi32>], vector<16xf32>,
          %mul3A_164 = arith.constant 3 : i32
          %mul3A_165 = arith.muli %mul3A_164, %mul3A_134 : i32
          %add3A_166 = arith.constant 1 : i32
          %add3A_167 = arith.addi %mul3A_165, %add3A_166 : i32
          %add3A_168 = vector.broadcast %add3A_167 : i32 to vector<16xi32>
          %add3A_169 = arith.addi %mul3A_3, %add3A_168 : vector<16xi32>
          %gather3A_170 = tpu.vector_load_idx %arg7[%broadcast_in_dim3A_6, %add3A_169] : memref<4x4800xf32, #tpu.memory_space<vmem>>[vector<16xi32>, vector<16xi32>], vector<16xf32>,
          tpu.vector_store_idx %arg8[%add3A_136, %broadcast_in_dim3A_20], %gather3A_170 : memref<1600x16xf32, #tpu.memory_space<vmem>>[vector<16xi32>, vector<16xi32>], vector<16xf32>,
          %mul3A_171 = arith.constant 3 : i32
          %mul3A_172 = arith.muli %mul3A_171, %mul3A_134 : i32
          %add3A_173 = arith.constant 2 : i32
          %add3A_174 = arith.addi %mul3A_172, %add3A_173 : i32
          %add3A_175 = vector.broadcast %add3A_174 : i32 to vector<16xi32>
          %add3A_176 = arith.addi %mul3A_3, %add3A_175 : vector<16xi32>
          %gather3A_177 = tpu.vector_load_idx %arg7[%broadcast_in_dim3A_6, %add3A_176] : memref<4x4800xf32, #tpu.memory_space<vmem>>[vector<16xi32>, vector<16xi32>], vector<16xf32>,
          tpu.vector_store_idx %arg8[%add3A_136, %broadcast_in_dim3A_22], %gather3A_177 : memref<1600x16xf32, #tpu.memory_space<vmem>>[vector<16xi32>, vector<16xi32>], vector<16xf32>,
          %mul3A_178 = arith.constant 3 : i32
          %mul3A_179 = arith.muli %mul3A_178, %mul3A_134 : i32
          %add3A_180 = arith.constant 0 : i32
          %add3A_181 = arith.addi %mul3A_179, %add3A_180 : i32
          %add3A_182 = vector.broadcast %add3A_181 : i32 to vector<16xi32>
          %add3A_183 = arith.addi %mul3A_3, %add3A_182 : vector<16xi32>
          %gather3A_184 = tpu.vector_load_idx %arg7[%broadcast_in_dim3A_8, %add3A_183] : memref<4x4800xf32, #tpu.memory_space<vmem>>[vector<16xi32>, vector<16xi32>], vector<16xf32>,
          tpu.vector_store_idx %arg8[%add3A_136, %broadcast_in_dim3A_24], %gather3A_184 : memref<1600x16xf32, #tpu.memory_space<vmem>>[vector<16xi32>, vector<16xi32>], vector<16xf32>,
          %mul3A_185 = arith.constant 3 : i32
          %mul3A_186 = arith.muli %mul3A_185, %mul3A_134 : i32
          %add3A_187 = arith.constant 1 : i32
          %add3A_188 = arith.addi %mul3A_186, %add3A_187 : i32
          %add3A_189 = vector.broadcast %add3A_188 : i32 to vector<16xi32>
          %add3A_190 = arith.addi %mul3A_3, %add3A_189 : vector<16xi32>
          %gather3A_191 = tpu.vector_load_idx %arg7[%broadcast_in_dim3A_8, %add3A_190] : memref<4x4800xf32, #tpu.memory_space<vmem>>[vector<16xi32>, vector<16xi32>], vector<16xf32>,
          tpu.vector_store_idx %arg8[%add3A_136, %broadcast_in_dim3A_26], %gather3A_191 : memref<1600x16xf32, #tpu.memory_space<vmem>>[vector<16xi32>, vector<16xi32>], vector<16xf32>,
          %mul3A_192 = arith.constant 3 : i32
          %mul3A_193 = arith.muli %mul3A_192, %mul3A_134 : i32
          %add3A_194 = arith.constant 2 : i32
          %add3A_195 = arith.addi %mul3A_193, %add3A_194 : i32
          %add3A_196 = vector.broadcast %add3A_195 : i32 to vector<16xi32>
          %add3A_197 = arith.addi %mul3A_3, %add3A_196 : vector<16xi32>
          %gather3A_198 = tpu.vector_load_idx %arg7[%broadcast_in_dim3A_8, %add3A_197] : memref<4x4800xf32, #tpu.memory_space<vmem>>[vector<16xi32>, vector<16xi32>], vector<16xf32>,
          tpu.vector_store_idx %arg8[%add3A_136, %broadcast_in_dim3A_28], %gather3A_198 : memref<1600x16xf32, #tpu.memory_space<vmem>>[vector<16xi32>, vector<16xi32>], vector<16xf32>,
          %mul3A_199 = arith.constant 3 : i32
          %mul3A_200 = arith.muli %mul3A_199, %mul3A_134 : i32
          %add3A_201 = arith.constant 0 : i32
          %add3A_202 = arith.addi %mul3A_200, %add3A_201 : i32
          %add3A_203 = vector.broadcast %add3A_202 : i32 to vector<16xi32>
          %add3A_204 = arith.addi %mul3A_3, %add3A_203 : vector<16xi32>
          %gather3A_205 = tpu.vector_load_idx %arg7[%broadcast_in_dim3A_10, %add3A_204] : memref<4x4800xf32, #tpu.memory_space<vmem>>[vector<16xi32>, vector<16xi32>], vector<16xf32>,
          tpu.vector_store_idx %arg8[%add3A_136, %broadcast_in_dim3A_30], %gather3A_205 : memref<1600x16xf32, #tpu.memory_space<vmem>>[vector<16xi32>, vector<16xi32>], vector<16xf32>,
          %mul3A_206 = arith.constant 3 : i32
          %mul3A_207 = arith.muli %mul3A_206, %mul3A_134 : i32
          %add3A_208 = arith.constant 1 : i32
          %add3A_209 = arith.addi %mul3A_207, %add3A_208 : i32
          %add3A_210 = vector.broadcast %add3A_209 : i32 to vector<16xi32>
          %add3A_211 = arith.addi %mul3A_3, %add3A_210 : vector<16xi32>
          %gather3A_212 = tpu.vector_load_idx %arg7[%broadcast_in_dim3A_10, %add3A_211] : memref<4x4800xf32, #tpu.memory_space<vmem>>[vector<16xi32>, vector<16xi32>], vector<16xf32>,
          tpu.vector_store_idx %arg8[%add3A_136, %broadcast_in_dim3A_32], %gather3A_212 : memref<1600x16xf32, #tpu.memory_space<vmem>>[vector<16xi32>, vector<16xi32>], vector<16xf32>,
          %mul3A_213 = arith.constant 3 : i32
          %mul3A_214 = arith.muli %mul3A_213, %mul3A_134 : i32
          %add3A_215 = arith.constant 2 : i32
          %add3A_216 = arith.addi %mul3A_214, %add3A_215 : i32
          %add3A_217 = vector.broadcast %add3A_216 : i32 to vector<16xi32>
          %add3A_218 = arith.addi %mul3A_3, %add3A_217 : vector<16xi32>
          %gather3A_219 = tpu.vector_load_idx %arg7[%broadcast_in_dim3A_10, %add3A_218] : memref<4x4800xf32, #tpu.memory_space<vmem>>[vector<16xi32>, vector<16xi32>], vector<16xf32>,
          tpu.vector_store_idx %arg8[%add3A_136, %broadcast_in_dim3A_34], %gather3A_219 : memref<1600x16xf32, #tpu.memory_space<vmem>>[vector<16xi32>, vector<16xi32>], vector<16xf32>,
        }
        %scan3A_131 = arith.constant 100 : i32
        "tpu.region"() ({
          %run_scoped3A = tpu.sem_alloc : memref<!tpu.dma_semaphore, #tpu.memory_space<semaphore_mem>>
          %dma_start3A_132 = arith.constant 0 : i32
          %dma_start3A_133 = tpu.memref_slice %arg6[%add3A_47, %dma_start3A_132] : memref<1000000x16xf32, #tpu.memory_space<hbm>> -> memref<1600x16xf32, #tpu.memory_space<hbm>>
          %dma_start3A_134 = arith.constant 0 : i32
          %dma_start3A_135 = tpu.memref_slice %arg6[%add3A_47, %dma_start3A_134] : memref<1000000x16xf32, #tpu.memory_space<hbm>> -> memref<1600x16xf32, #tpu.memory_space<hbm>>
          tpu.enqueue_dma source(%arg8 : memref<1600x16xf32, #tpu.memory_space<vmem>>) target(%dma_start3A_135 : memref<1600x16xf32, #tpu.memory_space<hbm>>) target_semaphore(%run_scoped3A : memref<!tpu.dma_semaphore, #tpu.memory_space<semaphore_mem>>)
          %dma_wait3A_136 = arith.constant 0 : i32
          %dma_wait3A_137 = tpu.memref_slice %arg6[%add3A_47, %dma_wait3A_136] : memref<1000000x16xf32, #tpu.memory_space<hbm>> -> memref<1600x16xf32, #tpu.memory_space<hbm>>
          %dma_wait3A_138 = arith.constant 0 : i32
          %dma_wait3A_139 = tpu.memref_slice %arg6[%add3A_47, %dma_wait3A_138] : memref<1000000x16xf32, #tpu.memory_space<hbm>> -> memref<1600x16xf32, #tpu.memory_space<hbm>>
          tpu.wait_dma2 semaphore(%run_scoped3A : memref<!tpu.dma_semaphore, #tpu.memory_space<semaphore_mem>>) src(%arg8 : memref<1600x16xf32, #tpu.memory_space<vmem>>) dst(%dma_wait3A_139 : memref<1600x16xf32, #tpu.memory_space<hbm>>)
          tpu.yield
        }) : () -> ()
      }
      %scan3A_41 = arith.constant 25 : i32
    } else {
    }
    return
  }
}

</mosaic_0001>

<sc_bundles>
// kernel: kernel.4.cloned.1.call-start
scs
__scs_entry_jumppad:
0x0: {  	(pc) =	sbr.rel $0x88, $3  }
0x1: {  	(tag) =	ssettag $0x0;
	lr =	simm.s32 $0x1  }
0x2: {  	[smem:$0x3F9C] =	sst lr;
	_ =	strace $0xD0000000  }
0x3: {  	_ = 	snop  }
0x4: {  	_ = 	snop  }
0x5: {  	_ = 	snop  }
0x6: {  	_ = 	snop  }
0x7: {  	_ = 	snop  }
__scs_overlays_trampoline_lowered:
0x8: {  	[smem:$0x3FAB] =	sst s0  }
0x9: {  	[smem:$0x3FAC] =	sst s1  }
0xa: {  	[smem:$0x3FAD] =	sst s2  }
0xb: {  	[smem:$0x3FAE] =	sst s3  }
0xc: {  	[smem:$0x3FAF] =	sst s4  }
0xd: {  	[smem:$0x3FB0] =	sst s5  }
0xe: {  	[smem:$0x3FB1] =	sst s6  }
0xf: {  	[smem:$0x3FB2] =	sst s7  }
0x10: {  	[smem:$0x3FB3] =	sst s8  }
0x11: {  	[smem:$0x3FB4] =	sst s9;
	s0 =	simm.s32 @!p0 $0x0  }
0x12: {  	s1 =	sld [smem:$0x3F9A];
	s0 =	simm.s32 @p0 $0x1  }
0x13: {  	[smem:$0x3FB5] =	sst s0;
	s0 =	simm.s32 @!p1 $0x0  }
0x14: {  	s2 =	sld [smem:$0x3F99];
	s0 =	simm.s32 @p1 $0x1  }
0x15: {  	[smem:$0x3FB6] =	sst s0;
	s0 =	simm.s32 @!p2 $0x0  }
0x16: {  	s3 =	sld [smem:$0x3FDB];
	s0 =	simm.s32 @p2 $0x1  }
0x17: {  	s4 =	simm.s32 $0x1BF5;
	[smem:$0x3FB8] =	sst s0  }
0x18: {  	s0 =	sld [smem:$0x3F9B];
	_ =	swait.ge [sflag:s4], $0x0  }
0x19: {  	s7 =	sld [smem:$0x3F9C]  }
0x1a: {  	s8 =	sadd.s32 $0xFFFFE003, lr  }
0x1b: {  	s9 =	sadd.s32 $0xFFFFFEF7, lr;
	s5 =	simm.s32 $0xFFFFFFFF;
	p2 =	slt.u32 s8, $0xFFFFF086  }
0x1c: {  	p1 =	slt.u32 s9, $0xF7A;
	s5 =	simm.s32 @!p2 $0x0  }
0x1d: {  	s5 =	simm.s32 @p1 $0x1;
	p0 =	seq.s32 s7, s2  }
0x1e: {  	s7 =	smul.u32 @!p0 $0xF7A, s2;
	p2 =	seq.s32 @!p0 s5, $0x0  }
0x1f: {  	s9 =	smul.u32 $0xF7A, s1;
	s8 =	simm.s32 @!p0 $0x1BF5;
	p2 =	por !p2, p0  }
0x20: {  	[sflag:s8] =	ssyncset.s32 @!p0 $0xFFFFF086;
	s6 =	sadd.s32 @!p0 s3, s7;
	s7 =	simm.s32 @!p0 $0x108  }
0x21: {  	s3 =	sadd.s32 s3, s9;
	s6 =	sadd.s32 @!p0 $0x88, s6;
	s7 =	simm.s32 @p2 $0x1082  }
0x22: {  	[simem:s7], [sflag:s8] =	dma.local @!p0 [hbm:s6], $0xF7A  }
0x23: {  	s9 =	sor.u32 $0xD0000000, s2;
	s6 =	simm.s32 $0x108;
	_ =	swait.ge @!p0 [sflag:s8], $0x0  }
0x24: {  	s3 =	sadd.s32 $0x88, s3;
	s6 =	simm.s32 @!p1 $0x1082;
	[sflag:s4] =	ssyncset.s32 $0xFFFFF086  }
0x25: {  	[simem:s6], [sflag:s4] =	dma.local [hbm:s3], $0xF7A  }
0x26: {  	[smem:$0x3F9C] =	sst s1;
	(tag) =	ssettag s2;
	_ =	strace s9  }
0x27: {  	s1 =	sld [smem:$0x3FAC]  }
0x28: {  	s2 =	sld [smem:$0x3FAD]  }
0x29: {  	s4 =	sld [smem:$0x3FAF]  }
0x2a: {  	p0 =	seq.s32 s5, $0x0;
	s5 =	sld [smem:$0x3FB0]  }
0x2b: {  	s6 =	sld [smem:$0x3FB1]  }
0x2c: {  	s7 =	sld [smem:$0x3FB2]  }
0x2d: {  	s3 =	simm.s32 $0x108;
	s8 =	sld [smem:$0x3FB3]  }
0x2e: {  	s3 =	simm.s32 @!p0 $0x1082;
	s9 =	sld [smem:$0x3FB4]  }
0x2f: {  	lr =	sadd.s32 s0, s3;
	s0 =	sld [smem:$0x3FAB]  }
0x30: {  	s3 =	sld [smem:$0x3FAE]  }
0x31: {  	[smem:$0x3FB7] =	sst s10  }
0x32: {  	s10 =	sld [smem:$0x3FB5];
	_ =	sdelay $0x3  }
0x33: {  	p0 =	seq.s32 s10, $0x1;
	s10 =	sld [smem:$0x3FB7];
	_ =	sdelay $0x3  }
0x34: {  	[smem:$0x3FB7] =	sst s10  }
0x35: {  	s10 =	sld [smem:$0x3FB6];
	_ =	sdelay $0x3  }
0x36: {  	p1 =	seq.s32 s10, $0x1;
	s10 =	sld [smem:$0x3FB7];
	_ =	sdelay $0x3  }
0x37: {  	[smem:$0x3FB7] =	sst s10  }
0x38: {  	s10 =	sld [smem:$0x3FB8]  }
0x39: {  	_ = 	snop;
	(pc) =	sbr.ind lr, $3  }
0x3a: {  	_ = 	snop  }
0x3b: {  	_ = 	snop  }
0x3c: {  	p2 =	seq.s32 s10, $0x1;
	s10 =	sld [smem:$0x3FB7]  }
0x3d: {  	_ =	shalt  }
0x3e: {  	_ =	shalt  }
0x3f: {  	_ =	shalt  }
0x40: {  	_ =	shalt  }
0x41: {  	_ =	shalt  }
0x42: {  	_ =	shalt  }
0x43: {  	_ =	shalt  }
0x44: {  	_ =	shalt  }
0x45: {  	_ =	shalt  }
0x46: {  	_ =	shalt  }
0x47: {  	_ =	shalt  }
0x48: {  	_ =	shalt  }
0x49: {  	_ =	shalt  }
0x4a: {  	_ =	shalt  }
0x4b: {  	_ =	shalt  }
0x4c: {  	_ =	shalt  }
0x4d: {  	_ =	shalt  }
0x4e: {  	_ =	shalt  }
0x4f: {  	_ =	shalt  }
0x50: {  	_ =	shalt  }
0x51: {  	_ =	shalt  }
0x52: {  	_ =	shalt  }
0x53: {  	_ =	shalt  }
0x54: {  	_ =	shalt  }
0x55: {  	_ =	shalt  }
0x56: {  	_ =	shalt  }
0x57: {  	_ =	shalt  }
0x58: {  	_ =	shalt  }
0x59: {  	_ =	shalt  }
0x5a: {  	_ =	shalt  }
0x5b: {  	_ =	shalt  }
0x5c: {  	_ =	shalt  }
0x5d: {  	_ =	shalt  }
0x5e: {  	_ =	shalt  }
0x5f: {  	_ =	shalt  }
0x60: {  	_ =	shalt  }
0x61: {  	_ =	shalt  }
0x62: {  	_ =	shalt  }
0x63: {  	_ =	shalt  }
0x64: {  	_ =	shalt  }
0x65: {  	_ =	shalt  }
0x66: {  	_ =	shalt  }
0x67: {  	_ =	shalt  }
0x68: {  	_ =	shalt  }
0x69: {  	_ =	shalt  }
0x6a: {  	_ =	shalt  }
0x6b: {  	_ =	shalt  }
0x6c: {  	_ =	shalt  }
0x6d: {  	_ =	shalt  }
0x6e: {  	_ =	shalt  }
0x6f: {  	_ =	shalt  }
0x70: {  	_ =	shalt  }
0x71: {  	_ =	shalt  }
0x72: {  	_ =	shalt  }
0x73: {  	_ =	shalt  }
0x74: {  	_ =	shalt  }
0x75: {  	_ =	shalt  }
0x76: {  	_ =	shalt  }
0x77: {  	_ =	shalt  }
0x78: {  	_ =	shalt  }
0x79: {  	_ =	shalt  }
0x7a: {  	_ =	shalt  }
0x7b: {  	_ =	shalt  }
0x7c: {  	_ =	shalt  }
0x7d: {  	_ =	shalt  }
0x7e: {  	_ =	shalt  }
0x7f: {  	_ =	shalt  }
0x80: {  	_ =	shalt  }
0x81: {  	_ =	shalt  }
0x82: {  	_ =	shalt  }
0x83: {  	_ =	shalt  }
0x84: {  	_ =	shalt  }
0x85: {  	_ =	shalt  }
0x86: {  	_ =	shalt  }
0x87: {  	_ =	shalt  }
.Lfunc_end0:
.L_simem_size_0:
called_computation_lowered:
.L_overlay_start_0:
0x88: {  	s2 =	sld [smem:$0x3FD9]  }
0x89: {  	s3 =	sld [smem:$0x3FFE];
	_ =	sdelay $0x1  }
0x8a: {  	s1 =	srdreg.scid  }
0x8b: {  	s0 =	sand.u32 $0x1, s1  }
0x8c: {  	s16 =	sshll.u32 s0, $0xA;
	s2 =	sadd.s32 s3, s2  }
0x8d: {  	s2 =	sadd.s32 s2, s16  }
0x8e: {  	[smem:$0x3FC3] =	sst s2  }
0x8f: {  	_ = 	snop  }
0x90: {  	(tm) =	ssettm $0x1  }
0x91: {  	s17 =	sld [smem:$0x3FFB];
	_ =	sdelay $0x3  }
0x92: {  	_ =	strace s17  }
0x93: {  	s2 =	sld [smem:$0x3FFC];
	_ =	sdelay $0x3  }
0x94: {  	_ =	strace s2  }
0x95: {  	s2 =	sld [smem:$0x3FFD];
	_ =	sdelay $0x3  }
0x96: {  	_ =	strace s2  }
0x97: {  	_ =	strace $0x8FFFFFFF  }
0x98: {  	s18 =	sld [smem:$0x3FDB];
	_ =	sdelay $0x1  }
0x99: {  	s19 =	simm.s32 $_scs_section_size  }
0x9a: {  	s4 =	simm.s32 $_size__tile_overlayer_lowered;
	s5 =	simm.s32 $_tile_overlayer_lowered  }
0x9b: {  	s22 =	simm.s32 $0x1BFF;
	s21 =	sshll.u32 s5, $0x1;
	s2 =	sadd.s32 s19, s18  }
0x9c: {  	s6 =	simm.s32 $0x0;
	s20 =	sshll.u32 s4, $0x1;
	s4 =	sadd.s32 s21, s2  }
0x9d: {  	[timem:s6], [sflag:s22] =	dma.local [hbm:s4], s20  }
0x9e: {  	_ =	swait.ge [sflag:s22], s20  }
0x9f: {  	s3 =	ssub.s32 $0x0, s20;
	[sflag:s22] =	ssyncset.done $0x0  }
0xa0: {  	[sflag:s22] =	ssyncadd.s32 s3;
	_ =	sdelay $0x1  }
0xa1: {  	s23 =	simm.s32 $0x1B8B  }
0xa2: {  	_ =	swait.ge [sflag:s23], $0x1  }
0xa3: {  	[sflag:s23] =	ssyncset.done $0x0  }
0xa4: {  	s25 =	simm.s32 $0x1B8E;
	s24 =	sld [smem:$0x3FFE];
	[sflag:s23] =	ssyncadd.s32 $0xFFFFFFFF  }
0xa5: {  	s26 =	simm.s32 $execute0_lowered;
	[smem:$0x3FD2] =	sst s25  }
0xa6: {  	s4 =	sshll.u32 s26, $0x1;
	_ =	strace $0x80000046;
	[dreg:$0x1] =	wrdreg $0xFFFFFFFF  }
0xa7: {  	s28 =	simm.s32 $_size_execute0_lowered;
	s2 =	sadd.s32 s2, s4;
	[dreg:$0x0] =	wrdreg $0x0  }
0xa8: {  	s4 =	sshll.u32 s28, $0x1;
	[dreg:$0x2] =	wrdreg s2  }
0xa9: {  	[dreg:$0x3] =	wrdreg s4  }
0xaa: {  	[dreg:$0x4] =	wrdreg $0xC0  }
0xab: {  	_ =	task [dreg:s6], $0x5FFFF  }
0xac: {  	[dreg:$0x1] =	wrdreg $0xFFFFFFFF  }
0xad: {  	[dreg:$0x0] =	wrdreg $0x60  }
0xae: {  	[dreg:$0x2] =	wrdreg s24  }
0xaf: {  	[dreg:$0x3] =	wrdreg $0x9  }
0xb0: {  	_ =	task.clear_ibuf [dreg:s6], $0x4FFFF;
	_ =	strace $0x90000046  }
0xb1: {  	s29 =	simm.s32 $0x9;
	_ =	strace $0x80000048  }
0xb2: {  	_ =	swait.ge [sflag:s29], $0x1  }
0xb3: {  	[sflag:s29] =	ssyncadd.s32 $0xFFFFFFFF  }
0xb4: {  	_ =	strace $0x90000048  }
0xb5: {  	_ =	sfence  }
0xb6: {  	s30 =	sld [smem:$0x0];
	_ =	sdelay $0x2  }
0xb7: {  	s31 =	sshll.u32 s1, $0xD;
	s1 =	sshrl.u32 s1, $0x2  }
0xb8: {  	s3 =	sand.u32 $0x4000, s31;
	s1 =	sadd.s32 s1, s30  }
0xb9: {  	s0 =	sor.u32 s3, s0;
	s1 =	sshll.u32 s1, $0x11  }
0xba: {  	s0 =	sor.u32 s1, s0  }
0xbb: {  	s0 =	sadd.s32 $0x8F2B, s0  }
0xbc: {  	[sflag:s0] =	ssyncadd.remote.s32 $0x1  }
0xbd: {  	_ =	sfence.sel $0xFFFF  }
0xbe: {  	[dreg:$0x0] =	wrdreg $0xFFFFFFFF;
	(pc) =	sbr.abs _section_cstart, $3  }
0xbf: {  	[dreg:$0x1] =	wrdreg $0xFFFFFFFF  }
0xc0: {  	_ =	task.clear_ibuf [dreg:s6], $0x2FFFF;
	_ =	strace $0x9FFFFFFF  }
0xc1: {  	(tm) =	ssettm $0x7FFFFFFF  }
tec
execute0_lowered:
.L_overlay_start_1:
0x0: {  	(tag) =	ssettag $0x1  }
0x1: {  	s1 =	srdreg.scid;
	s0 =	stileid.u32  }
0x2: {  	s5 =	sand.u32 $0x1, s1;
	s3 =	sshll.u32 s0, $0x1  }
0x3: {  	s8 =	sor.u32 s5, s3  }
0x4: {  	p0 =	sgt.u32 s8, $0x18  }
.Ltmp0:
0x5: {  	_ = 	snop;
	(pc) =	sbr.rel @p0 .LBB2_7-.Ltmp0, $4  }
0x6: {  	_ = 	snop  }
0x7: {  	s7 =	rddreg [dreg:$0x0];
	s2 =	simm.s32 $0x0  }
0x8: {  	[smem:$0x7FF] =	sst s2  }
0x9: {  	s1 =	rddreg [dreg:$0x1];
	_ =	strace $0x80000047  }
0xa: {  	v0 =	vimm.s32 $0x12C5;
	vm0 =	vcmask $0x300  }
0xb: {  	v2 =	vlaneseq.u32;
	vm1 =	vcmask $0x704;
	v1 =	vimm.s32 $0x52741630  }
0xc: {  	vm2 =	vcmask $0xB08;
	vm3 =	vcmask $0xF0C;
	vm4 =	vcmask $0x1310  }
0xd: {  	vm5 =	vcmask $0x1714;
	vm6 =	vcmask $0x1B18;
	v4 =	vimm.s32 $0x2585  }
0xe: {  	v5 =	vimm.s32 $0x3845;
	vm7 =	vcmask $0x2320;
	vm10 =	vcmask $0x2724  }
0xf: {  	vm11 =	vcmask $0x2B28;
	vm12 =	vcmask $0x2F2C;
	vm13 =	vcmask $0x3330  }
0x10: {  	vm14 =	vcmask $0x3734;
	vm15 =	vcmask $0x3B38;
	v0 =	vsel vm0, $0x12C0, v0  }
0x11: {  	v1 =	vunpack.c.l.s4.s8 v1;
	v4 =	vsel vm0, $0x2580, v4;
	v5 =	vsel vm0, $0x3840, v5  }
0x12: {  	v0 =	vsel vm1, $0x12C3, v0;
	v4 =	vsel vm1, $0x2583, v4;
	v5 =	vsel vm1, $0x3843, v5  }
0x13: {  	v3 =	vsel vm2, $0x12C6, v0;
	v0 =	vmul.u32 $0x3, v2;
	v1 =	vunpack.c.0.s8.s32 v1  }
0x14: {  	v2 =	vmul.u32 $0x10, v2;
	v4 =	vsel vm2, $0x2586, v4;
	v5 =	vsel vm2, $0x3846, v5  }
0x15: {  	v3 =	vsel vm3, $0x12C1, v3;
	v4 =	vsel vm3, $0x2581, v4;
	v5 =	vsel vm3, $0x3841, v5  }
0x16: {  	v3 =	vsel vm4, $0x12C4, v3;
	v4 =	vsel vm4, $0x2584, v4;
	v5 =	vsel vm4, $0x3844, v5  }
0x17: {  	v3 =	vsel vm5, $0x12C7, v3;
	v4 =	vsel vm5, $0x2587, v4;
	v5 =	vsel vm5, $0x3847, v5  }
0x18: {  	s3 =	sadd.s32 $0x1055600, s7;
	v3 =	vsel vm6, $0x12C2, v3;
	v4 =	vsel vm6, $0x2582, v4;
	v5 =	vsel vm6, $0x3842, v5  }
0x19: {  	s4 =	sadd.s32 $0xFF9C00, s7;
	v3 =	vsel vm7, $0x12C0, v3;
	v4 =	vsel vm7, $0x2580, v4;
	v5 =	vsel vm7, $0x3840, v5  }
0x1a: {  	s9 =	ssub.s32 $0x2, s5;
	s5 =	sadd.s32 $0xF9E200, s7;
	v3 =	vsel vm10, $0x12C3, v3;
	v4 =	vsel vm10, $0x2583, v4;
	v5 =	vsel vm10, $0x3843, v5  }
0x1b: {  	s6 =	sadd.s32 $0xF42800, s7;
	s7 =	sadd.s32 $0x400, s7;
	v3 =	vsel vm11, $0x12C6, v3;
	v4 =	vsel vm11, $0x2586, v4;
	v5 =	vsel vm11, $0x3846, v5  }
0x1c: {  	s8 =	smul.u32 $0x9C40, s8;
	s11 =	simm.s32 $0x2580;
	s12 =	simm.s32 $0x3840;
	v3 =	vsel vm12, $0x12C1, v3;
	v4 =	vsel vm12, $0x2581, v4;
	v5 =	vsel vm12, $0x3841, v5  }
0x1d: {  	s13 =	simm.s32 $0x1;
	s14 =	simm.s32 $0x4B00;
	s10 =	sshrl.u32 s9, $0x1;
	v3 =	vsel vm13, $0x12C4, v3;
	v4 =	vsel vm13, $0x2584, v4;
	v5 =	vsel vm13, $0x3844, v5  }
0x1e: {  	s15 =	simm.s32 $0x2;
	s16 =	simm.s32 $0x0;
	s9 =	ssub.s32 s9, s10;
	v3 =	vsel vm14, $0x12C7, v3;
	v4 =	vsel vm14, $0x2587, v4;
	v5 =	vsel vm14, $0x3847, v5  }
0x1f: {  	s17 =	simm.s32 $0x0;
	s10 =	simm.s32 $0x12C0;
	s9 =	smax.u32 s9, $0x1;
	v3 =	vsel vm15, $0x12C2, v3;
	v4 =	vsel vm15, $0x2582, v4;
	v5 =	vsel vm15, $0x3842, v5  }
.LBB2_2:
0x20: {  	s18 =	simm.s32 $0x0  }
.LBB2_3:
0x21: {  	s19 =	smul.u32 $0x640, s18;
	_ =	sdelay $0x1  }
0x22: {  	s19 =	sadd.s32 s8, s19  }
0x23: {  	s20 =	smul.u32 $0x3, s19;
	_ =	sdelay $0x1  }
0x24: {  	s20 =	sshrl.u32 s20, $0x3  }
0x25: {  	s21 =	sadd.s32 s3, s20  }
0x26: {  	[tilespmem:s17], [sflag:$0x1] =	stream.linear.gather [hbm4b:s21+s17], $0x12C0, $0x38;
	[tilespmem:$0xAF00] =	vst v63  }
0x27: {  	s28 =	sadd.s32 s4, s20  }
0x28: {  	[tilespmem:s10], [sflag:$0x1] =	stream.linear.gather [hbm4b:s28+s17], $0x12C0, $0x38;
	[tilespmem:$0xAF00] =	vst v63  }
0x29: {  	s29 =	sadd.s32 s5, s20  }
0x2a: {  	[tilespmem:s11], [sflag:$0x1] =	stream.linear.gather [hbm4b:s29+s17], $0x12C0, $0x38;
	[tilespmem:$0xAF00] =	vst v63  }
0x2b: {  	s20 =	sadd.s32 s6, s20  }
0x2c: {  	[tilespmem:s12], [sflag:$0x1] =	stream.linear.gather [hbm4b:s20+s17], $0x12C0, $0x38;
	[tilespmem:$0xAF00] =	vst v63  }
0x2d: {  	_ =	swait.ge [sflag:s13], $0x12C0  }
0x2e: {  	[sflag:s13] =	ssyncset.done $0x0  }
0x2f: {  	[sflag:s13] =	ssyncadd.s32 $0xFFFFED40  }
0x30: {  	_ =	swait.ge [sflag:s13], $0x12C0  }
0x31: {  	[sflag:s13] =	ssyncset.done $0x0  }
0x32: {  	v6 =	vadd.s32 s17, v0;
	[sflag:s13] =	ssyncadd.s32 $0xFFFFED40  }
0x33: {  	v7 =	vand.u32 $0x3FF8, v6;
	_ =	swait.ge [sflag:s13], $0x12C0  }
0x34: {  	v6 =	vor.u32 v1, v7;
	[sflag:s13] =	ssyncset.done $0x0  }
0x35: {  	[sflag:s13] =	ssyncadd.s32 $0xFFFFED40  }
0x36: {  	_ =	swait.ge [sflag:s13], $0x12C0  }
0x37: {  	v8 =	vmov s17;
	[sflag:s13] =	ssyncset.done $0x0  }
0x38: {  	v8 =	vshll.u32 v8, $0x4;
	[sflag:s13] =	ssyncadd.s32 $0xFFFFED40  }
0x39: {  	s30 =	simm.s32 $0x1;
	v9 =	vld.idx.msk [tilespmem:v6+s2+$0x0], $0xffff;
	v6 =	vor.u32 v2, v8  }
0x3a: {  	v8 =	vadd.s32 s30, v0;
	_ =	sdelay $0x3  }
0x3b: {  	[tilespmem:v6+s14+$0x0] =	vst.idx.msk $0xffff, v9  }
0x3c: {  	s31 =	simm.s32 $0x2;
	v10 =	vor.u32 $0x1, v6;
	v9 =	vld.idx.msk [tilespmem:v8+s2+$0x0], $0xffff  }
0x3d: {  	v11 =	vadd.s32 s31, v0;
	_ =	sdelay $0x3  }
0x3e: {  	[tilespmem:v10+s14+$0x0] =	vst.idx.msk $0xffff, v9  }
0x3f: {  	v10 =	vor.u32 $0x2, v6;
	v9 =	vld.idx.msk [tilespmem:v11+s2+$0x0], $0xffff  }
0x40: {  	v12 =	vadd.s32 v3, v7;
	_ =	sdelay $0x3  }
0x41: {  	[tilespmem:v10+s14+$0x0] =	vst.idx.msk $0xffff, v9  }
0x42: {  	v8 =	vand.u32 $0x3FFF, v8;
	v10 =	vor.u32 $0x3, v6;
	v9 =	vld.idx.msk [tilespmem:v12+s2+$0x0], $0xffff  }
0x43: {  	v59 =	vadd.s32 $0x12C0, v8;
	_ =	sdelay $0x3  }
0x44: {  	[tilespmem:v10+s14+$0x0] =	vst.idx.msk $0xffff, v9  }
0x45: {  	v11 =	vand.u32 $0x3FFF, v11;
	v10 =	vor.u32 $0x4, v6;
	v9 =	vld.idx.msk [tilespmem:v59+s2+$0x0], $0xffff  }
0x46: {  	v60 =	vadd.s32 $0x12C0, v11;
	_ =	sdelay $0x3  }
0x47: {  	[tilespmem:v10+s14+$0x0] =	vst.idx.msk $0xffff, v9  }
0x48: {  	v10 =	vor.u32 $0x5, v6;
	v9 =	vld.idx.msk [tilespmem:v60+s2+$0x0], $0xffff  }
0x49: {  	v61 =	vadd.s32 v4, v7;
	_ =	sdelay $0x3  }
0x4a: {  	[tilespmem:v10+s14+$0x0] =	vst.idx.msk $0xffff, v9  }
0x4b: {  	v10 =	vor.u32 $0x6, v6;
	v9 =	vld.idx.msk [tilespmem:v61+s2+$0x0], $0xffff  }
0x4c: {  	v62 =	vadd.s32 $0x2580, v8;
	_ =	sdelay $0x3  }
0x4d: {  	[tilespmem:v10+s14+$0x0] =	vst.idx.msk $0xffff, v9  }
0x4e: {  	v10 =	vor.u32 $0x7, v6;
	v9 =	vld.idx.msk [tilespmem:v62+s2+$0x0], $0xffff  }
0x4f: {  	v63 =	vadd.s32 $0x2580, v11;
	_ =	sdelay $0x3  }
0x50: {  	[tilespmem:v10+s14+$0x0] =	vst.idx.msk $0xffff, v9  }
0x51: {  	v10 =	vor.u32 $0x8, v6;
	v9 =	vld.idx.msk [tilespmem:v63+s2+$0x0], $0xffff  }
0x52: {  	v7 =	vadd.s32 v5, v7;
	_ =	sdelay $0x3  }
0x53: {  	[tilespmem:v10+s14+$0x0] =	vst.idx.msk $0xffff, v9  }
0x54: {  	v9 =	vor.u32 $0x9, v6;
	v7 =	vld.idx.msk [tilespmem:v7+s2+$0x0], $0xffff  }
0x55: {  	v8 =	vadd.s32 $0x3840, v8;
	_ =	sdelay $0x3  }
0x56: {  	[tilespmem:v9+s14+$0x0] =	vst.idx.msk $0xffff, v7  }
0x57: {  	v7 =	vld.idx.msk [tilespmem:v8+s2+$0x0], $0xffff;
	v8 =	vor.u32 $0xA, v6  }
0x58: {  	v9 =	vadd.s32 $0x3840, v11;
	_ =	sdelay $0x3  }
0x59: {  	s20 =	simm.s32 $0x30;
	[tilespmem:v8+s14+$0x0] =	vst.idx.msk $0xffff, v7  }
0x5a: {  	s22 =	simm.s32 $0x20;
	s21 =	simm.s32 $0x10;
	v8 =	vadd.s32 s20, v0;
	v7 =	vld.idx.msk [tilespmem:v9+s2+$0x0], $0xffff  }
.LBB2_4:
0x5b: {  	p0 =	sne.s32 s22, $0x630;
	v8 =	vand.u32 $0x3FF8, v8;
	v6 =	vor.u32 $0xB, v6  }
0x5c: {  	v9 =	vor.u32 v1, v8;
	_ =	sdelay $0x3  }
0x5d: {  	v10 =	vmov s21;
	s21 =	smov.u32 s22;
	[tilespmem:v6+s14+$0x0] =	vst.idx.msk $0xffff, v7  }
0x5e: {  	v6 =	vshll.u32 v10, $0x4;
	v7 =	vld.idx.msk [tilespmem:v9+s2+$0x0], $0xffff  }
0x5f: {  	s23 =	sadd.s32 $0x1, s20;
	v6 =	vor.u32 v2, v6  }
0x60: {  	v9 =	vadd.s32 s23, v0;
	_ =	sdelay $0x3  }
0x61: {  	[tilespmem:v6+s14+$0x0] =	vst.idx.msk $0xffff, v7  }
0x62: {  	v7 =	vld.idx.msk [tilespmem:v9+s2+$0x0], $0xffff  }
0x63: {  	s23 =	sadd.s32 $0x2, s20;
	v10 =	vor.u32 $0x1, v6  }
0x64: {  	v11 =	vadd.s32 s23, v0;
	_ =	sdelay $0x3  }
0x65: {  	[tilespmem:v10+s14+$0x0] =	vst.idx.msk $0xffff, v7  }
0x66: {  	v7 =	vld.idx.msk [tilespmem:v11+s2+$0x0], $0xffff  }
0x67: {  	v10 =	vor.u32 $0x2, v6  }
0x68: {  	v12 =	vadd.s32 v3, v8;
	_ =	sdelay $0x3  }
0x69: {  	[tilespmem:v10+s14+$0x0] =	vst.idx.msk $0xffff, v7  }
0x6a: {  	v7 =	vld.idx.msk [tilespmem:v12+s2+$0x0], $0xffff  }
0x6b: {  	v9 =	vand.u32 $0x3FFF, v9;
	v10 =	vor.u32 $0x3, v6  }
0x6c: {  	v12 =	vadd.s32 $0x12C0, v9;
	_ =	sdelay $0x3  }
0x6d: {  	[tilespmem:v10+s14+$0x0] =	vst.idx.msk $0xffff, v7  }
0x6e: {  	v7 =	vld.idx.msk [tilespmem:v12+s2+$0x0], $0xffff  }
0x6f: {  	v11 =	vand.u32 $0x3FFF, v11;
	v10 =	vor.u32 $0x4, v6  }
0x70: {  	v12 =	vadd.s32 $0x12C0, v11;
	_ =	sdelay $0x3  }
0x71: {  	[tilespmem:v10+s14+$0x0] =	vst.idx.msk $0xffff, v7  }
0x72: {  	v7 =	vld.idx.msk [tilespmem:v12+s2+$0x0], $0xffff  }
0x73: {  	v10 =	vor.u32 $0x5, v6  }
0x74: {  	v12 =	vadd.s32 v4, v8;
	_ =	sdelay $0x3  }
0x75: {  	[tilespmem:v10+s14+$0x0] =	vst.idx.msk $0xffff, v7  }
0x76: {  	v7 =	vld.idx.msk [tilespmem:v12+s2+$0x0], $0xffff  }
0x77: {  	v10 =	vor.u32 $0x6, v6  }
0x78: {  	v12 =	vadd.s32 $0x2580, v9;
	_ =	sdelay $0x3  }
0x79: {  	[tilespmem:v10+s14+$0x0] =	vst.idx.msk $0xffff, v7  }
0x7a: {  	v7 =	vld.idx.msk [tilespmem:v12+s2+$0x0], $0xffff  }
0x7b: {  	v10 =	vor.u32 $0x7, v6  }
0x7c: {  	v12 =	vadd.s32 $0x2580, v11;
	_ =	sdelay $0x3  }
0x7d: {  	[tilespmem:v10+s14+$0x0] =	vst.idx.msk $0xffff, v7  }
0x7e: {  	v7 =	vld.idx.msk [tilespmem:v12+s2+$0x0], $0xffff  }
0x7f: {  	v10 =	vor.u32 $0x8, v6  }
0x80: {  	v8 =	vadd.s32 v5, v8;
	_ =	sdelay $0x3  }
0x81: {  	[tilespmem:v10+s14+$0x0] =	vst.idx.msk $0xffff, v7  }
0x82: {  	v7 =	vld.idx.msk [tilespmem:v8+s2+$0x0], $0xffff  }
0x83: {  	v8 =	vor.u32 $0x9, v6  }
0x84: {  	v9 =	vadd.s32 $0x3840, v9;
	_ =	sdelay $0x3  }
0x85: {  	[tilespmem:v8+s14+$0x0] =	vst.idx.msk $0xffff, v7  }
0x86: {  	v7 =	vld.idx.msk [tilespmem:v9+s2+$0x0], $0xffff  }
0x87: {  	v8 =	vor.u32 $0xA, v6  }
0x88: {  	v9 =	vadd.s32 $0x3840, v11  }
.Ltmp1:
0x89: {  	(pc) =	sbr.rel @p0 .LBB2_4-.Ltmp1, $3  }
0x8a: {  	_ =	sdelay $0x1  }
0x8b: {  	s20 =	sadd.s32 $0x30, s20;
	[tilespmem:v8+s14+$0x0] =	vst.idx.msk $0xffff, v7  }
0x8c: {  	s22 =	sadd.s32 $0x10, s22;
	v8 =	vadd.s32 s20, v0;
	v7 =	vld.idx.msk [tilespmem:v9+s2+$0x0], $0xffff  }
0x8d: {  	v8 =	vand.u32 $0x3FF8, v8;
	v6 =	vor.u32 $0xB, v6  }
0x8e: {  	v9 =	vor.u32 v1, v8;
	_ =	sdelay $0x2  }
0x8f: {  	v10 =	vmov s21  }
0x90: {  	[tilespmem:v6+s14+$0x0] =	vst.idx.msk $0xffff, v7;
	v6 =	vshll.u32 v10, $0x4  }
0x91: {  	s30 =	sadd.s32 $0x1, s20;
	v7 =	vld.idx.msk [tilespmem:v9+s2+$0x0], $0xffff;
	v6 =	vor.u32 v2, v6  }
0x92: {  	v47 =	vadd.s32 s30, v0;
	_ =	sdelay $0x3  }
0x93: {  	[tilespmem:v6+s14+$0x0] =	vst.idx.msk $0xffff, v7  }
0x94: {  	s31 =	sadd.s32 $0x2, s20;
	v48 =	vor.u32 $0x1, v6;
	v7 =	vld.idx.msk [tilespmem:v47+s2+$0x0], $0xffff  }
0x95: {  	v11 =	vadd.s32 s31, v0;
	_ =	sdelay $0x3  }
0x96: {  	[tilespmem:v48+s14+$0x0] =	vst.idx.msk $0xffff, v7  }
0x97: {  	v49 =	vor.u32 $0x2, v6;
	v7 =	vld.idx.msk [tilespmem:v11+s2+$0x0], $0xffff  }
0x98: {  	v12 =	vadd.s32 v3, v8;
	_ =	sdelay $0x3  }
0x99: {  	[tilespmem:v49+s14+$0x0] =	vst.idx.msk $0xffff, v7  }
0x9a: {  	v9 =	vand.u32 $0x3FFF, v47;
	v50 =	vor.u32 $0x3, v6;
	v7 =	vld.idx.msk [tilespmem:v12+s2+$0x0], $0xffff  }
0x9b: {  	v51 =	vadd.s32 $0x12C0, v9;
	_ =	sdelay $0x3  }
0x9c: {  	[tilespmem:v50+s14+$0x0] =	vst.idx.msk $0xffff, v7  }
0x9d: {  	v52 =	vor.u32 $0x4, v6;
	v11 =	vand.u32 $0x3FFF, v11;
	v7 =	vld.idx.msk [tilespmem:v51+s2+$0x0], $0xffff  }
0x9e: {  	v53 =	vadd.s32 $0x12C0, v11;
	_ =	sdelay $0x3  }
0x9f: {  	[tilespmem:v52+s14+$0x0] =	vst.idx.msk $0xffff, v7  }
0xa0: {  	v54 =	vor.u32 $0x5, v6;
	v7 =	vld.idx.msk [tilespmem:v53+s2+$0x0], $0xffff  }
0xa1: {  	v55 =	vadd.s32 v4, v8;
	_ =	sdelay $0x3  }
0xa2: {  	[tilespmem:v54+s14+$0x0] =	vst.idx.msk $0xffff, v7  }
0xa3: {  	v56 =	vor.u32 $0x6, v6;
	v7 =	vld.idx.msk [tilespmem:v55+s2+$0x0], $0xffff  }
0xa4: {  	v57 =	vadd.s32 $0x2580, v9;
	_ =	sdelay $0x3  }
0xa5: {  	[tilespmem:v56+s14+$0x0] =	vst.idx.msk $0xffff, v7  }
0xa6: {  	v58 =	vor.u32 $0x7, v6;
	v7 =	vld.idx.msk [tilespmem:v57+s2+$0x0], $0xffff  }
0xa7: {  	v59 =	vadd.s32 $0x2580, v11;
	_ =	sdelay $0x3  }
0xa8: {  	[tilespmem:v58+s14+$0x0] =	vst.idx.msk $0xffff, v7  }
0xa9: {  	v60 =	vor.u32 $0x8, v6;
	v7 =	vld.idx.msk [tilespmem:v59+s2+$0x0], $0xffff  }
0xaa: {  	v8 =	vadd.s32 v5, v8;
	_ =	sdelay $0x3  }
0xab: {  	[tilespmem:v60+s14+$0x0] =	vst.idx.msk $0xffff, v7  }
0xac: {  	v61 =	vor.u32 $0x9, v6;
	v7 =	vld.idx.msk [tilespmem:v8+s2+$0x0], $0xffff  }
0xad: {  	v9 =	vadd.s32 $0x3840, v9;
	_ =	sdelay $0x3  }
0xae: {  	[tilespmem:v61+s14+$0x0] =	vst.idx.msk $0xffff, v7  }
0xaf: {  	v62 =	vor.u32 $0xA, v6;
	v7 =	vld.idx.msk [tilespmem:v9+s2+$0x0], $0xffff  }
0xb0: {  	v63 =	vadd.s32 $0x3840, v11;
	_ =	sdelay $0x3  }
0xb1: {  	[tilespmem:v62+s14+$0x0] =	vst.idx.msk $0xffff, v7  }
0xb2: {  	v6 =	vor.u32 $0xB, v6;
	v7 =	vld.idx.msk [tilespmem:v63+s2+$0x0], $0xffff;
	_ =	sdelay $0x2  }
0xb3: {  	s18 =	sadd.s32 $0x1, s18  }
0xb4: {  	s19 =	sshll.u32 s19, $0x1;
	p0 =	sne.s32 s18, $0x19  }
.Ltmp2:
0xb5: {  	s19 =	sadd.s32 s7, s19;
	[tilespmem:v6+s14+$0x0] =	vst.idx.msk $0xffff, v7;
	(pc) =	sbr.rel @p0 .LBB2_3-.Ltmp2, $4  }
0xb6: {  	[hbm4b:s19+s2] =	stream.linear.scatter [tilespmem:s14], [sflag:$0x2], $0x6400, $0x38;
	[tilespmem:$0xAF00] =	vst v63  }
0xb7: {  	_ =	swait.ge [sflag:s15], $0x6400  }
0xb8: {  	[sflag:s15] =	ssyncset.done $0x0  }
0xb9: {  	[sflag:s15] =	ssyncadd.s32 $0xFFFF9C00  }
0xba: {  	s16 =	sadd.s32 $0x1, s16  }
0xbb: {  	p0 =	sne.s32 s16, s9  }
.Ltmp3:
0xbc: {  	_ = 	snop;
	(pc) =	sbr.rel @p0 .LBB2_2-.Ltmp3, $1  }
0xbd: {  	_ =	sdelay $0x3  }
.LBB2_7:
0xbe: {  	_ =	sfence.sel $0x180000  }
0xbf: {  	[bflag:$0x0] =	sbarrier.arrive $0xFFFF  }
0xc0: {  	p0 =	sne.s32 s0, $0x0;
	_ =	strace $0x90000047  }
0xc1: {  	s0 =	sadd.s32 @!p0 $0x100000, s1;
	[bflag:$0x2] =	sbarrier.arrive $0xFFFF  }
0xc2: {  	[sflag:s0] =	ssyncadd.tile.s32 @!p0 $0x1;
	_ =	shalt  }
.Lfunc_end2:
_tile_overlayer_lowered:
.L_overlay_start_2:
0xc3: {  	(tag) =	ssettag $0x2  }
0xc4: {  	s0 =	rddreg [dreg:$0x0];
	s2 =	stileid.u32  }
0xc5: {  	s1 =	rddreg [dreg:$0x1];
	p0 =	sne.s32 s2, $0x0  }
0xc6: {  	s3 =	rddreg [dreg:$0x2];
	[bflag:$0x3] =	sbarrier.arrive $0xFFFF;
	s2 =	simm.s32 @!p0 $0x1C02  }
0xc7: {  	[timem:s3], [sflag:s2] =	dma.local @!p0 [hbm:s0], s1  }
0xc8: {  	s0 =	simm.s32 @!p0 $0x2  }
0xc9: {  	_ =	swait.ge @!p0 [sflag:s0], s1  }
0xca: {  	s1 =	ssub.s32 @!p0 $0x0, s1;
	[sflag:s0] =	ssyncset.done @!p0 $0x0  }
0xcb: {  	[sflag:s0] =	ssyncadd.s32 @!p0 s1  }
0xcc: {  	[bflag:$0x3] =	sbarrier.arrive $0xFFFF  }
0xcd: {  	_ =	shalt  }

// kernel: kernel.7.cloned.1.call-start
scs
__scs_entry_jumppad:
0x0: {  	(pc) =	sbr.rel $0x88, $3  }
0x1: {  	(tag) =	ssettag $0x0;
	lr =	simm.s32 $0x1  }
0x2: {  	[smem:$0x3F9C] =	sst lr;
	_ =	strace $0xD0000000  }
0x3: {  	_ = 	snop  }
0x4: {  	_ = 	snop  }
0x5: {  	_ = 	snop  }
0x6: {  	_ = 	snop  }
0x7: {  	_ = 	snop  }
__scs_overlays_trampoline_lowered:
0x8: {  	[smem:$0x3FAB] =	sst s0  }
0x9: {  	[smem:$0x3FAC] =	sst s1  }
0xa: {  	[smem:$0x3FAD] =	sst s2  }
0xb: {  	[smem:$0x3FAE] =	sst s3  }
0xc: {  	[smem:$0x3FAF] =	sst s4  }
0xd: {  	[smem:$0x3FB0] =	sst s5  }
0xe: {  	[smem:$0x3FB1] =	sst s6  }
0xf: {  	[smem:$0x3FB2] =	sst s7  }
0x10: {  	[smem:$0x3FB3] =	sst s8  }
0x11: {  	[smem:$0x3FB4] =	sst s9;
	s0 =	simm.s32 @!p0 $0x0  }
0x12: {  	s1 =	sld [smem:$0x3F9A];
	s0 =	simm.s32 @p0 $0x1  }
0x13: {  	[smem:$0x3FB5] =	sst s0;
	s0 =	simm.s32 @!p1 $0x0  }
0x14: {  	s2 =	sld [smem:$0x3F99];
	s0 =	simm.s32 @p1 $0x1  }
0x15: {  	[smem:$0x3FB6] =	sst s0;
	s0 =	simm.s32 @!p2 $0x0  }
0x16: {  	s3 =	sld [smem:$0x3FDB];
	s0 =	simm.s32 @p2 $0x1  }
0x17: {  	s4 =	simm.s32 $0x1BF5;
	[smem:$0x3FB8] =	sst s0  }
0x18: {  	s0 =	sld [smem:$0x3F9B];
	_ =	swait.ge [sflag:s4], $0x0  }
0x19: {  	s7 =	sld [smem:$0x3F9C]  }
0x1a: {  	s8 =	sadd.s32 $0xFFFFE003, lr  }
0x1b: {  	s9 =	sadd.s32 $0xFFFFFEF7, lr;
	s5 =	simm.s32 $0xFFFFFFFF;
	p2 =	slt.u32 s8, $0xFFFFF086  }
0x1c: {  	p1 =	slt.u32 s9, $0xF7A;
	s5 =	simm.s32 @!p2 $0x0  }
0x1d: {  	s5 =	simm.s32 @p1 $0x1;
	p0 =	seq.s32 s7, s2  }
0x1e: {  	s7 =	smul.u32 @!p0 $0xF7A, s2;
	p2 =	seq.s32 @!p0 s5, $0x0  }
0x1f: {  	s9 =	smul.u32 $0xF7A, s1;
	s8 =	simm.s32 @!p0 $0x1BF5;
	p2 =	por !p2, p0  }
0x20: {  	[sflag:s8] =	ssyncset.s32 @!p0 $0xFFFFF086;
	s6 =	sadd.s32 @!p0 s3, s7;
	s7 =	simm.s32 @!p0 $0x108  }
0x21: {  	s3 =	sadd.s32 s3, s9;
	s6 =	sadd.s32 @!p0 $0x88, s6;
	s7 =	simm.s32 @p2 $0x1082  }
0x22: {  	[simem:s7], [sflag:s8] =	dma.local @!p0 [hbm:s6], $0xF7A  }
0x23: {  	s9 =	sor.u32 $0xD0000000, s2;
	s6 =	simm.s32 $0x108;
	_ =	swait.ge @!p0 [sflag:s8], $0x0  }
0x24: {  	s3 =	sadd.s32 $0x88, s3;
	s6 =	simm.s32 @!p1 $0x1082;
	[sflag:s4] =	ssyncset.s32 $0xFFFFF086  }
0x25: {  	[simem:s6], [sflag:s4] =	dma.local [hbm:s3], $0xF7A  }
0x26: {  	[smem:$0x3F9C] =	sst s1;
	(tag) =	ssettag s2;
	_ =	strace s9  }
0x27: {  	s1 =	sld [smem:$0x3FAC]  }
0x28: {  	s2 =	sld [smem:$0x3FAD]  }
0x29: {  	s4 =	sld [smem:$0x3FAF]  }
0x2a: {  	p0 =	seq.s32 s5, $0x0;
	s5 =	sld [smem:$0x3FB0]  }
0x2b: {  	s6 =	sld [smem:$0x3FB1]  }
0x2c: {  	s7 =	sld [smem:$0x3FB2]  }
0x2d: {  	s3 =	simm.s32 $0x108;
	s8 =	sld [smem:$0x3FB3]  }
0x2e: {  	s3 =	simm.s32 @!p0 $0x1082;
	s9 =	sld [smem:$0x3FB4]  }
0x2f: {  	lr =	sadd.s32 s0, s3;
	s0 =	sld [smem:$0x3FAB]  }
0x30: {  	s3 =	sld [smem:$0x3FAE]  }
0x31: {  	[smem:$0x3FB7] =	sst s10  }
0x32: {  	s10 =	sld [smem:$0x3FB5];
	_ =	sdelay $0x3  }
0x33: {  	p0 =	seq.s32 s10, $0x1;
	s10 =	sld [smem:$0x3FB7];
	_ =	sdelay $0x3  }
0x34: {  	[smem:$0x3FB7] =	sst s10  }
0x35: {  	s10 =	sld [smem:$0x3FB6];
	_ =	sdelay $0x3  }
0x36: {  	p1 =	seq.s32 s10, $0x1;
	s10 =	sld [smem:$0x3FB7];
	_ =	sdelay $0x3  }
0x37: {  	[smem:$0x3FB7] =	sst s10  }
0x38: {  	s10 =	sld [smem:$0x3FB8]  }
0x39: {  	_ = 	snop;
	(pc) =	sbr.ind lr, $3  }
0x3a: {  	_ = 	snop  }
0x3b: {  	_ = 	snop  }
0x3c: {  	p2 =	seq.s32 s10, $0x1;
	s10 =	sld [smem:$0x3FB7]  }
0x3d: {  	_ =	shalt  }
0x3e: {  	_ =	shalt  }
0x3f: {  	_ =	shalt  }
0x40: {  	_ =	shalt  }
0x41: {  	_ =	shalt  }
0x42: {  	_ =	shalt  }
0x43: {  	_ =	shalt  }
0x44: {  	_ =	shalt  }
0x45: {  	_ =	shalt  }
0x46: {  	_ =	shalt  }
0x47: {  	_ =	shalt  }
0x48: {  	_ =	shalt  }
0x49: {  	_ =	shalt  }
0x4a: {  	_ =	shalt  }
0x4b: {  	_ =	shalt  }
0x4c: {  	_ =	shalt  }
0x4d: {  	_ =	shalt  }
0x4e: {  	_ =	shalt  }
0x4f: {  	_ =	shalt  }
0x50: {  	_ =	shalt  }
0x51: {  	_ =	shalt  }
0x52: {  	_ =	shalt  }
0x53: {  	_ =	shalt  }
0x54: {  	_ =	shalt  }
0x55: {  	_ =	shalt  }
0x56: {  	_ =	shalt  }
0x57: {  	_ =	shalt  }
0x58: {  	_ =	shalt  }
0x59: {  	_ =	shalt  }
0x5a: {  	_ =	shalt  }
0x5b: {  	_ =	shalt  }
0x5c: {  	_ =	shalt  }
0x5d: {  	_ =	shalt  }
0x5e: {  	_ =	shalt  }
0x5f: {  	_ =	shalt  }
0x60: {  	_ =	shalt  }
0x61: {  	_ =	shalt  }
0x62: {  	_ =	shalt  }
0x63: {  	_ =	shalt  }
0x64: {  	_ =	shalt  }
0x65: {  	_ =	shalt  }
0x66: {  	_ =	shalt  }
0x67: {  	_ =	shalt  }
0x68: {  	_ =	shalt  }
0x69: {  	_ =	shalt  }
0x6a: {  	_ =	shalt  }
0x6b: {  	_ =	shalt  }
0x6c: {  	_ =	shalt  }
0x6d: {  	_ =	shalt  }
0x6e: {  	_ =	shalt  }
0x6f: {  	_ =	shalt  }
0x70: {  	_ =	shalt  }
0x71: {  	_ =	shalt  }
0x72: {  	_ =	shalt  }
0x73: {  	_ =	shalt  }
0x74: {  	_ =	shalt  }
0x75: {  	_ =	shalt  }
0x76: {  	_ =	shalt  }
0x77: {  	_ =	shalt  }
0x78: {  	_ =	shalt  }
0x79: {  	_ =	shalt  }
0x7a: {  	_ =	shalt  }
0x7b: {  	_ =	shalt  }
0x7c: {  	_ =	shalt  }
0x7d: {  	_ =	shalt  }
0x7e: {  	_ =	shalt  }
0x7f: {  	_ =	shalt  }
0x80: {  	_ =	shalt  }
0x81: {  	_ =	shalt  }
0x82: {  	_ =	shalt  }
0x83: {  	_ =	shalt  }
0x84: {  	_ =	shalt  }
0x85: {  	_ =	shalt  }
0x86: {  	_ =	shalt  }
0x87: {  	_ =	shalt  }
.Lfunc_end0:
.L_simem_size_0:
called_computation.1_lowered:
.L_overlay_start_0:
0x88: {  	s2 =	sld [smem:$0x3FD9]  }
0x89: {  	s3 =	sld [smem:$0x3FFE];
	_ =	sdelay $0x1  }
0x8a: {  	s1 =	srdreg.scid  }
0x8b: {  	s0 =	sand.u32 $0x1, s1  }
0x8c: {  	s17 =	sshll.u32 s0, $0xA;
	s2 =	sadd.s32 s3, s2  }
0x8d: {  	s2 =	sadd.s32 s2, s17  }
0x8e: {  	[smem:$0x3FC3] =	sst s2  }
0x8f: {  	_ = 	snop  }
0x90: {  	s2 =	sld [smem:$0x3FC9];
	(tm) =	ssettm $0x1  }
0x91: {  	s18 =	sld [smem:$0x3FFB];
	_ =	sdelay $0x3  }
0x92: {  	_ =	strace s18  }
0x93: {  	s3 =	sld [smem:$0x3FFC];
	_ =	sdelay $0x3  }
0x94: {  	_ =	strace s3  }
0x95: {  	s3 =	sld [smem:$0x3FFD];
	_ =	sdelay $0x3  }
0x96: {  	_ =	strace s3  }
0x97: {  	_ =	strace $0x8FFFFFFF  }
0x98: {  	s19 =	sld [smem:$0x3FDB];
	_ =	sdelay $0x1  }
0x99: {  	s4 =	simm.s32 $_scs_section_size  }
0x9a: {  	s5 =	simm.s32 $_size__tile_overlayer_lowered;
	s6 =	simm.s32 $_tile_overlayer_lowered  }
0x9b: {  	s22 =	simm.s32 $0x1BFF;
	s21 =	sshll.u32 s6, $0x1;
	s3 =	sadd.s32 s4, s19  }
0x9c: {  	s7 =	simm.s32 $0x0;
	s20 =	sshll.u32 s5, $0x1;
	s5 =	sadd.s32 s21, s3  }
0x9d: {  	[timem:s7], [sflag:s22] =	dma.local [hbm:s5], s20  }
0x9e: {  	_ =	swait.ge [sflag:s22], s20  }
0x9f: {  	s4 =	ssub.s32 $0x0, s20;
	[sflag:s22] =	ssyncset.done $0x0  }
0xa0: {  	[sflag:s22] =	ssyncadd.s32 s4;
	_ =	sdelay $0x1  }
0xa1: {  	s23 =	simm.s32 $0x1B8B  }
0xa2: {  	_ =	swait.ge [sflag:s23], $0x1  }
0xa3: {  	[sflag:s23] =	ssyncset.done $0x0  }
0xa4: {  	s25 =	simm.s32 $0x1B8E;
	s24 =	sld [smem:$0x3FFE];
	[sflag:s23] =	ssyncadd.s32 $0xFFFFFFFF  }
0xa5: {  	s26 =	simm.s32 $execute0_lowered;
	[smem:$0x3FD2] =	sst s25  }
0xa6: {  	s5 =	sshll.u32 s26, $0x1;
	_ =	strace $0x80000049;
	[dreg:$0x1] =	wrdreg $0xFFFFFFFF  }
0xa7: {  	s28 =	simm.s32 $_size_execute0_lowered;
	s3 =	sadd.s32 s3, s5;
	[dreg:$0x0] =	wrdreg $0x0  }
0xa8: {  	s5 =	sshll.u32 s28, $0x1;
	[dreg:$0x2] =	wrdreg s3  }
0xa9: {  	[dreg:$0x3] =	wrdreg s5  }
0xaa: {  	[dreg:$0x4] =	wrdreg $0xC0  }
0xab: {  	_ =	task [dreg:s7], $0x5FFFF  }
0xac: {  	[dreg:$0x1] =	wrdreg $0xFFFFFFFF  }
0xad: {  	[dreg:$0x0] =	wrdreg $0x60  }
0xae: {  	[dreg:$0x2] =	wrdreg s2  }
0xaf: {  	[dreg:$0x3] =	wrdreg s24  }
0xb0: {  	[dreg:$0x4] =	wrdreg $0x74000  }
0xb1: {  	[dreg:$0x5] =	wrdreg $0x9  }
0xb2: {  	_ =	task.clear_ibuf [dreg:s7], $0x6FFFF;
	_ =	strace $0x90000049  }
0xb3: {  	s29 =	simm.s32 $0x9;
	_ =	strace $0x8000004B  }
0xb4: {  	_ =	swait.ge [sflag:s29], $0x1  }
0xb5: {  	[sflag:s29] =	ssyncadd.s32 $0xFFFFFFFF  }
0xb6: {  	_ =	strace $0x9000004B  }
0xb7: {  	_ =	sfence  }
0xb8: {  	s30 =	sld [smem:$0x0];
	_ =	sdelay $0x2  }
0xb9: {  	s31 =	sshll.u32 s1, $0xD;
	s1 =	sshrl.u32 s1, $0x2  }
0xba: {  	s3 =	sand.u32 $0x4000, s31;
	s1 =	sadd.s32 s1, s30  }
0xbb: {  	s0 =	sor.u32 s3, s0;
	s1 =	sshll.u32 s1, $0x11  }
0xbc: {  	s0 =	sor.u32 s1, s0  }
0xbd: {  	s0 =	sadd.s32 $0x8F2B, s0  }
0xbe: {  	[sflag:s0] =	ssyncadd.remote.s32 $0x1  }
0xbf: {  	_ =	sfence.sel $0xFFFF  }
0xc0: {  	[dreg:$0x0] =	wrdreg $0xFFFFFFFF;
	(pc) =	sbr.abs _section_cstart, $3  }
0xc1: {  	[dreg:$0x1] =	wrdreg $0xFFFFFFFF  }
0xc2: {  	_ =	task.clear_ibuf [dreg:s7], $0x2FFFF;
	_ =	strace $0x9FFFFFFF  }
0xc3: {  	(tm) =	ssettm $0x7FFFFFFF  }
tec
execute0_lowered:
.L_overlay_start_1:
0x0: {  	(tag) =	ssettag $0x1  }
0x1: {  	s5 =	rddreg [dreg:$0x0]  }
0x2: {  	s6 =	rddreg [dreg:$0x1]  }
0x3: {  	s1 =	rddreg [dreg:$0x2]  }
0x4: {  	s0 =	rddreg [dreg:$0x3];
	s2 =	simm.s32 $0x0;
	s3 =	srdreg.scid  }
0x5: {  	s14 =	stileid.u32;
	s11 =	simm.s32 $0x6400;
	s12 =	simm.s32 $0x6C00  }
0x6: {  	s13 =	simm.s32 $0x1;
	s15 =	simm.s32 $0x2;
	s16 =	simm.s32 $0x0  }
0x7: {  	[smem:$0x7FF] =	sst s2;
	s7 =	sand.u32 $0x1, s3;
	s30 =	sshll.u32 s14, $0x1  }
0x8: {  	s3 =	sadd.s32 $0x400, s6;
	p0 =	sne.s32 s14, $0x0;
	v0 =	vmov s14;
	s14 =	simm.s32 $0x7410  }
0x9: {  	_ =	strace $0x8000004A;
	s4 =	sor.u32 s7, s30;
	s8 =	ssub.s32 $0x2, s7  }
0xa: {  	s7 =	sshll.u32 s7, $0x5;
	s9 =	smul.u32 $0xC80, s4;
	s10 =	sshrl.u32 s8, $0x1  }
0xb: {  	s4 =	sadd.s32 $0x1E8A00, s6;
	s6 =	sadd.s32 s7, s6;
	s31 =	ssub.s32 s8, s10  }
0xc: {  	s6 =	sadd.s32 $0x1E8C00, s6;
	s8 =	simm.s32 $0x3;
	s10 =	simm.s32 $0x80  }
0xd: {  	s5 =	sadd.s32 s5, s9;
	s7 =	smax.u32 s31, $0x1;
	s9 =	sshrl.u32 @!p0 s1, $0x3  }
.LBB2_1:
0xe: {  	[tilespmem:s2], [sflag:$0x3] =	stream.linear.gather [hbm4b:s5+s2], $0x6400, $0x38;
	[tilespmem:$0x7490] =	vst v63  }
0xf: {  	_ =	swait.ge [sflag:s8], $0x6400  }
0x10: {  	[sflag:s8] =	ssyncset.done $0x0  }
0x11: {  	[sflag:s8] =	ssyncadd.s32 $0xFFFF9C00  }
0x12: {  	[tilespmem:$0x7410] =	vst v0  }
0x13: {  	[tilespmem:$0x7420] =	vst v0  }
0x14: {  	[tilespmem:$0x7430] =	vst v0  }
0x15: {  	[tilespmem:$0x7440] =	vst v0  }
0x16: {  	[tilespmem:$0x7450] =	vst v0  }
0x17: {  	[tilespmem:$0x7460] =	vst v0  }
0x18: {  	[tilespmem:$0x7470] =	vst v0  }
0x19: {  	s17 =	simm.s32 @!p0 $0x1C03;
	[tilespmem:$0x7480] =	vst v0  }
0x1a: {  	[spmem:s9], [sflag:s17] =	dma.local @!p0 [hbm:s4], $0x20  }
0x1b: {  	s17 =	simm.s32 @!p0 $0x3  }
0x1c: {  	_ =	swait.ge @!p0 [sflag:s17], $0x20  }
0x1d: {  	[sflag:s17] =	ssyncset.done @!p0 $0x0  }
0x1e: {  	[sflag:s17] =	ssyncadd.s32 @!p0 $0xFFFFFFE0  }
0x1f: {  	s30 =	simm.s32 $0x0;
	[bflag:$0x0] =	sbarrier.arrive $0xFFFF  }
0x20: {  	[tilespmem:s11], [sflag:$0x1] =	stream.indirect.gather [hbm4b:s3+s10], $0x10, s30, s10, $0xb8;
	[tilespmem:$0x7490] =	vst v63  }
0x21: {  	s31 =	simm.s32 $0x80  }
0x22: {  	[tilespmem:s12], [sflag:$0x2] =	stream.indirect.gather [hbm4b:s3+s10], $0x10, s31, s10, $0xb8;
	[tilespmem:$0x7490] =	vst v63  }
0x23: {  	_ =	swait.ge [sflag:s13], $0x800  }
0x24: {  	[sflag:s13] =	ssyncset.done $0x0  }
0x25: {  	[sflag:s13] =	ssyncadd.s32 $0xFFFFF800  }
0x26: {  	[spmem:s1] =	stream.indirect.scatter.add.f32 [tilespmem:s11], [sflag:$0x3], $0x10, s14, s10, $0xb8;
	[tilespmem:$0x7490] =	vst v63  }
0x27: {  	_ =	swait.ge [sflag:s8], $0x800  }
0x28: {  	[sflag:s8] =	ssyncset.done $0x0  }
0x29: {  	[sflag:s8] =	ssyncadd.s32 $0xFFFFF800  }
0x2a: {  	_ =	swait.ge [sflag:s15], $0x800  }
0x2b: {  	[sflag:s15] =	ssyncset.done $0x0  }
0x2c: {  	[sflag:s15] =	ssyncadd.s32 $0xFFFFF800  }
0x2d: {  	[spmem:s1] =	stream.indirect.scatter.add.f32 [tilespmem:s12], [sflag:$0x3], $0x10, s14, s10, $0xb8;
	[tilespmem:$0x7490] =	vst v63  }
0x2e: {  	_ =	swait.ge [sflag:s8], $0x800  }
0x2f: {  	s18 =	simm.s32 $0x800;
	s17 =	simm.s32 $0x400;
	[sflag:s8] =	ssyncset.done $0x0  }
.LBB2_2:
0x30: {  	s19 =	sshra.s32 s17, $0x2  }
0x31: {  	[sflag:s8] =	ssyncadd.s32 $0xFFFFF800;
	s17 =	smov.u32 s18;
	s20 =	sadd.s32 $0x400, s18  }
0x32: {  	[tilespmem:s11], [sflag:$0x1] =	stream.indirect.gather [hbm4b:s3+s10], $0x10, s19, s10, $0xb8;
	[tilespmem:$0x7490] =	vst v63  }
0x33: {  	p1 =	sne.s32 s18, $0x18C00;
	s18 =	sadd.s32 $0x80, s19  }
0x34: {  	[tilespmem:s12], [sflag:$0x2] =	stream.indirect.gather [hbm4b:s3+s10], $0x10, s18, s10, $0xb8;
	[tilespmem:$0x7490] =	vst v63  }
0x35: {  	_ =	swait.ge [sflag:s13], $0x800  }
0x36: {  	[sflag:s13] =	ssyncset.done $0x0  }
0x37: {  	[sflag:s13] =	ssyncadd.s32 $0xFFFFF800  }
0x38: {  	[spmem:s1] =	stream.indirect.scatter.add.f32 [tilespmem:s11], [sflag:$0x3], $0x10, s14, s10, $0xb8;
	[tilespmem:$0x7490] =	vst v63  }
0x39: {  	_ =	swait.ge [sflag:s8], $0x800  }
0x3a: {  	[sflag:s8] =	ssyncset.done $0x0  }
0x3b: {  	[sflag:s8] =	ssyncadd.s32 $0xFFFFF800  }
0x3c: {  	_ =	swait.ge [sflag:s15], $0x800  }
.Ltmp0:
0x3d: {  	[sflag:s15] =	ssyncset.done $0x0;
	(pc) =	sbr.rel @p1 .LBB2_2-.Ltmp0, $4  }
0x3e: {  	[sflag:s15] =	ssyncadd.s32 $0xFFFFF800  }
0x3f: {  	[spmem:s1] =	stream.indirect.scatter.add.f32 [tilespmem:s12], [sflag:$0x3], $0x10, s14, s10, $0xb8;
	[tilespmem:$0x7490] =	vst v63  }
0x40: {  	_ =	swait.ge [sflag:s8], $0x800  }
0x41: {  	s18 =	smov.u32 s20;
	[sflag:s8] =	ssyncset.done $0x0  }
0x42: {  	s17 =	sshra.s32 s17, $0x2;
	[sflag:s8] =	ssyncadd.s32 $0xFFFFF800  }
0x43: {  	[tilespmem:s11], [sflag:$0x1] =	stream.indirect.gather [hbm4b:s3+s10], $0x10, s17, s10, $0xb8;
	[tilespmem:$0x7490] =	vst v63  }
0x44: {  	s17 =	sadd.s32 $0x80, s17  }
0x45: {  	[tilespmem:s12], [sflag:$0x2] =	stream.indirect.gather [hbm4b:s3+s10], $0x10, s17, s10, $0xb8;
	[tilespmem:$0x7490] =	vst v63  }
0x46: {  	_ =	swait.ge [sflag:s13], $0x800  }
0x47: {  	[sflag:s13] =	ssyncset.done $0x0  }
0x48: {  	[sflag:s13] =	ssyncadd.s32 $0xFFFFF800  }
0x49: {  	[spmem:s1] =	stream.indirect.scatter.add.f32 [tilespmem:s11], [sflag:$0x3], $0x10, s14, s10, $0xb8;
	[tilespmem:$0x7490] =	vst v63  }
0x4a: {  	_ =	swait.ge [sflag:s8], $0x800  }
0x4b: {  	[sflag:s8] =	ssyncset.done $0x0  }
0x4c: {  	[sflag:s8] =	ssyncadd.s32 $0xFFFFF800  }
0x4d: {  	_ =	swait.ge [sflag:s15], $0x800  }
0x4e: {  	[sflag:s15] =	ssyncset.done $0x0  }
0x4f: {  	[sflag:s15] =	ssyncadd.s32 $0xFFFFF800  }
0x50: {  	[spmem:s1] =	stream.indirect.scatter.add.f32 [tilespmem:s12], [sflag:$0x3], $0x10, s14, s10, $0xb8;
	[tilespmem:$0x7490] =	vst v63  }
0x51: {  	_ =	swait.ge [sflag:s8], $0x800  }
0x52: {  	[sflag:s8] =	ssyncset.done $0x0  }
0x53: {  	s16 =	sadd.s32 $0x1, s16;
	[sflag:s8] =	ssyncadd.s32 $0xFFFFF800  }
0x54: {  	p1 =	sne.s32 s16, s7;
	s17 =	simm.s32 @!p0 $0x1C03;
	[bflag:$0x0] =	sbarrier.arrive $0xFFFF  }
0x55: {  	[hbm:s6], [sflag:s17] =	dma.local @!p0 [spmem:s9], $0x20  }
.Ltmp1:
0x56: {  	_ = 	snop;
	(pc) =	sbr.rel @p1 .LBB2_1-.Ltmp1, $4  }
0x57: {  	s17 =	simm.s32 @!p0 $0x3  }
0x58: {  	_ =	swait.ge @!p0 [sflag:s17], $0x20  }
0x59: {  	[sflag:s17] =	ssyncset.done @!p0 $0x0  }
0x5a: {  	[sflag:s17] =	ssyncadd.s32 @!p0 $0xFFFFFFE0  }
0x5b: {  	_ =	sfence.sel $0x180000  }
0x5c: {  	[bflag:$0x0] =	sbarrier.arrive $0xFFFF  }
0x5d: {  	_ =	strace $0x9000004A  }
0x5e: {  	s0 =	sadd.s32 @!p0 $0x100000, s0;
	[bflag:$0x2] =	sbarrier.arrive $0xFFFF  }
0x5f: {  	[sflag:s0] =	ssyncadd.tile.s32 @!p0 $0x1;
	_ =	shalt  }
.Lfunc_end2:
_tile_overlayer_lowered:
.L_overlay_start_2:
0x60: {  	(tag) =	ssettag $0x2  }
0x61: {  	s0 =	rddreg [dreg:$0x0];
	s2 =	stileid.u32  }
0x62: {  	s1 =	rddreg [dreg:$0x1];
	p0 =	sne.s32 s2, $0x0  }
0x63: {  	s3 =	rddreg [dreg:$0x2];
	[bflag:$0x3] =	sbarrier.arrive $0xFFFF;
	s2 =	simm.s32 @!p0 $0x1C03  }
0x64: {  	[timem:s3], [sflag:s2] =	dma.local @!p0 [hbm:s0], s1  }
0x65: {  	s0 =	simm.s32 @!p0 $0x3  }
0x66: {  	_ =	swait.ge @!p0 [sflag:s0], s1  }
0x67: {  	s1 =	ssub.s32 @!p0 $0x0, s1;
	[sflag:s0] =	ssyncset.done @!p0 $0x0  }
0x68: {  	[sflag:s0] =	ssyncadd.s32 @!p0 s1  }
0x69: {  	[bflag:$0x3] =	sbarrier.arrive $0xFFFF  }
0x6a: {  	_ =	shalt  }

</sc_bundles>
